<compile_context>
chip_gen: v7x
topology: tpu7x:2x2x1
jax: 0.10.2.dev20260603
libtpu: 0.0.44.dev20260713+nightly
codegen_flags: <defaults>
</compile_context>

<pallas_src>
import jax
import jax.numpy as jnp
from jax import lax
from jax.experimental import pallas as pl
from jax.experimental.pallas import tpu as pltpu
from jax.experimental.pallas import tpu_sc as plsc

N_F = 26
VOCAB_SZ = 100000
VPAD = 102400
D = 16
B = 16384

NC = 2
NS = 16
NW = NC * NS
LANES = 16

BPW = B // NW
VPB = BPW // LANES
GRP = BPW // LANES

HALVES = ((0, 8, 8), (16, 5, 5))


def _tc_reduce_body(t0_ref, t1_ref, s0_ref, s1_ref):
    s0_ref[...] = jnp.sum(t0_ref[0, :, :], axis=0)
    s1_ref[...] = jnp.sum(t1_ref[0, :, :], axis=0)


def _prep_body(xt_hbm, i0_hbm, i1_hbm, i2_hbm, i3_hbm, xbuf, idxb, sem):
    wid = lax.axis_index("s") * NC + lax.axis_index("c")
    outs = [i0_hbm, i1_hbm, i2_hbm, i3_hbm]
    pltpu.sync_copy(xt_hbm.at[pl.ds(0, N_F), pl.ds(wid * BPW, BPW)], xbuf)
    streams = []
    for (fb, n0, n1) in HALVES:
        streams += [(fb, n0), (fb + n0, n1)]
    for si, (fbase, nf) in enumerate(streams):
        def idx_body(k, carry, fbase=fbase):
            fl = k // VPB
            s = (k - fl * VPB) * LANES
            idxb[pl.ds(k * LANES, LANES)] = (
                xbuf[fbase + fl, pl.ds(s, LANES)] + fl * VPAD)
            return carry
        lax.fori_loop(0, nf * VPB, idx_body, 0)
        pltpu.sync_copy(idxb.at[pl.ds(0, nf * BPW)],
                        outs[si].at[pl.ds(wid * nf * BPW, nf * BPW)])


def _make_gather_body(fbase, n0, n1, with_partial):
    nf = n0 + n1

    def body(*refs):
        if with_partial:
            (s0_hbm, s1_hbm, i0_hbm, i1_hbm, alpha_hbm, part_hbm, out_hbm,
             idx0, idx1, g0, g1, alo, pbuf, outb, sem) = refs
        else:
            (s0_hbm, s1_hbm, i0_hbm, i1_hbm, alpha_hbm, out_hbm,
             idx0, idx1, g0, g1, alo, pbuf, outb, sem) = refs
        wid = lax.axis_index("s") * NC + lax.axis_index("c")

        pltpu.sync_copy(i0_hbm.at[pl.ds(wid * n0 * BPW, n0 * BPW)], idx0)
        pltpu.sync_copy(i1_hbm.at[pl.ds(wid * n1 * BPW, n1 * BPW)], idx1)
        c0 = pltpu.async_copy(s0_hbm.at[idx0], g0, sem)
        c1 = pltpu.async_copy(s1_hbm.at[idx1], g1, sem)

        if with_partial:
            pltpu.sync_copy(part_hbm.at[pl.ds(wid * BPW, BPW)], pbuf)
        pltpu.sync_copy(alpha_hbm, alo)
        for j in range(2):
            a = alo[pl.ds(j * LANES, LANES)]
            e = jnp.exp(a + a)
            alo[pl.ds(j * LANES, LANES)] = (e - 1.0) / (e + 1.0)
        ta = [plsc.load_gather(alo, [jnp.full((LANES,), fbase + f, jnp.int32)])
              for f in range(nf)]

        c0.wait()
        c1.wait()

        def group_body(g, carry):
            o = g * LANES
            acc = g0[pl.ds(o, LANES)] * ta[0]
            for f in range(1, n0):
                acc = acc + g0[pl.ds(f * BPW + o, LANES)] * ta[f]
            for f in range(n1):
                acc = acc + g1[pl.ds(f * BPW + o, LANES)] * ta[n0 + f]
            if with_partial:
                acc = acc + pbuf[pl.ds(o, LANES)]
            outb[pl.ds(o, LANES)] = acc
            return carry
        lax.fori_loop(0, GRP, group_body, 0)

        pltpu.sync_copy(outb, out_hbm.at[pl.ds(wid * BPW, BPW)])
    return body


@jax.jit
def kernel(X, tables, alpha):
    tt = jnp.transpose(tables, (0, 2, 1))
    xt = jnp.transpose(X, (1, 0))

    mesh = plsc.VectorSubcoreMesh(core_axis_name="c", subcore_axis_name="s")
    cp = pltpu.CompilerParams(
        needs_layout_passes=False, use_tc_tiling_on_sc=False)

    streams = []
    for (fb, n0, n1) in HALVES:
        streams += [(fb, n0), (fb + n0, n1)]

    idx_lists = pl.kernel(
        _prep_body,
        out_type=[jax.ShapeDtypeStruct((NW * nf * BPW,), jnp.int32)
                  for (_, nf) in streams],
        mesh=mesh, compiler_params=cp,
        scratch_types=[
            pltpu.VMEM((N_F, BPW), jnp.int32),
            pltpu.VMEM((8 * BPW,), jnp.int32),
            pltpu.SemaphoreType.DMA,
        ],
    )(xt)

    s_tabs = []
    for fbase, n0, n1 in HALVES:
        s0, s1 = pl.pallas_call(
            _tc_reduce_body,
            grid=(n0,),
            in_specs=[
                pl.BlockSpec((1, D, VPAD),
                             lambda f, fb=fbase: (fb + f, 0, 0)),
                pl.BlockSpec((1, D, VPAD),
                             lambda f, fb=fbase, m=n0: (fb + m + f, 0, 0)),
            ],
            out_specs=[
                pl.BlockSpec((VPAD,), lambda f: (f,)),
                pl.BlockSpec((VPAD,), lambda f: (f,)),
            ],
            out_shape=[
                jax.ShapeDtypeStruct((n0 * VPAD,), jnp.float32),
                jax.ShapeDtypeStruct((n1 * VPAD,), jnp.float32),
            ],
        )(tt, tt)
        s_tabs.append((s0, s1))

    alpha_pad = jnp.pad(alpha, (0, 2 * LANES - N_F))

    def scratch(n0, n1):
        return [
            pltpu.VMEM((n0 * BPW,), jnp.int32),
            pltpu.VMEM((n1 * BPW,), jnp.int32),
            pltpu.VMEM((n0 * BPW,), jnp.float32),
            pltpu.VMEM((n1 * BPW,), jnp.float32),
            pltpu.VMEM((2 * LANES,), jnp.float32),
            pltpu.VMEM((BPW,), jnp.float32),
            pltpu.VMEM((BPW,), jnp.float32),
            pltpu.SemaphoreType.DMA,
        ]

    (fb0, a0, a1), (fb1, b0, b1) = HALVES
    part = pl.kernel(
        _make_gather_body(fb0, a0, a1, False),
        out_type=jax.ShapeDtypeStruct((B,), jnp.float32),
        mesh=mesh, compiler_params=cp, scratch_types=scratch(a0, a1),
    )(s_tabs[0][0], s_tabs[0][1], idx_lists[0], idx_lists[1], alpha_pad)
    out = pl.kernel(
        _make_gather_body(fb1, b0, b1, True),
        out_type=jax.ShapeDtypeStruct((B,), jnp.float32),
        mesh=mesh, compiler_params=cp, scratch_types=scratch(b0, b1),
    )(s_tabs[1][0], s_tabs[1][1], idx_lists[2], idx_lists[3], alpha_pad, part)
    return out[:, None]

# --- scband reference (transcript-rebuilt; emitter-appended) ---
"""Pipeline reference for scband-normalized-weighted-linear-layer-17763984736348 (READ-ONLY COPY).

The authoritative reference and input builder live on the scoring server;
editing this copy changes nothing except your own understanding.
"""

import jax, jax.numpy as jnp
import numpy as np

N_FIELDS = 26
VOCAB = 100000
EMB_DIM = 16
BATCH = 16384


def setup_inputs(seed: int = 0) -> dict:
    key = jax.random.key(seed)
    k1, k2, k3 = jax.random.split(key, 3)
    X = jax.random.randint(k1, (BATCH, N_FIELDS), 0, VOCAB, dtype=jnp.int32)
    # one embedding table per sparse feature field, init_std=0.001
    tables = 0.001 * jax.random.normal(k2, (N_FIELDS, VOCAB, EMB_DIM), dtype=jnp.float32)
    # structure param alpha ~ U(0.5 - 0.001, 0.5 + 0.001)
    alpha = jax.random.uniform(k3, (N_FIELDS,), minval=0.499, maxval=0.501, dtype=jnp.float32)
    return {"X": X, "tables": tables, "alpha": alpha}


def reference(X, tables, alpha):
    # Per-field embedding lookup: emb[b, f, :] = tables[f, X[b, f], :]
    field_ids = jnp.arange(N_FIELDS)[None, :]  # [1, F]
    emb = tables[field_ids, X]  # [B, F, D] via gather (SparseCore-friendly)
    # use_alpha=True, tag=False path; squeeze(-1) is a no-op since D > 1
    yyy = jnp.tanh(alpha)  # activation on structure params
    zzz = yyy[None, :, None]  # [1, F, 1]
    mul_result = emb * zzz  # [B, F, D]
    linear_logit = jnp.sum(mul_result, axis=(1, 2))[:, None]  # [B, 1]
    return linear_logit

if __name__ == "__main__":
    import jax
    _d = setup_inputs()
    print(jax.jit(kernel)(*tuple(_d.values())))

</pallas_src>

<mosaic_0001>
#map = affine_map<(d0, d1) -> (0)>
module attributes {stable_mosaic.version = 14 : i64} {
  func.func @body(%arg0: i32, %arg1: i32, %arg2: memref<819200xf32, #tpu.memory_space<hbm>>, %arg3: memref<819200xf32, #tpu.memory_space<hbm>>, %arg4: memref<131072xi32, #tpu.memory_space<hbm>>, %arg5: memref<131072xi32, #tpu.memory_space<hbm>>, %arg6: memref<32xf32, #tpu.memory_space<hbm>>, %arg7: memref<16384xf32, #tpu.memory_space<hbm>>, %arg8: memref<4096xi32, #tpu.memory_space<vmem>>, %arg9: memref<4096xi32, #tpu.memory_space<vmem>>, %arg10: memref<4096xf32, #tpu.memory_space<vmem>>, %arg11: memref<4096xf32, #tpu.memory_space<vmem>>, %arg12: memref<32xf32, #tpu.memory_space<vmem>>, %arg13: memref<512xf32, #tpu.memory_space<vmem>>, %arg14: memref<512xf32, #tpu.memory_space<vmem>>, %arg15: memref<!tpu.dma_semaphore, #tpu.memory_space<semaphore_mem>>) attributes {dimension_semantics = [#tpu.dimension_semantics<core_parallel>, #tpu.dimension_semantics<subcore_parallel>], iteration_bounds = array<i64: 2, 16>, scalar_prefetch = 0 : i64, scratch_operands = 8 : i64, tpu.core_type = #tpu.core_type<sc_vector_subcore>, window_params = [{transform_indices = #map}, {transform_indices = #map}, {transform_indices = #map}, {transform_indices = #map}, {transform_indices = #map}, {transform_indices = #map}]} {
    %mul3A = arith.constant 2 : i32
    %mul3A_0 = arith.muli %arg1, %mul3A : i32
    %add3A = arith.addi %mul3A_0, %arg0 : i32
    %mul3A_1 = arith.constant 8 : i32
    %mul3A_2 = arith.muli %add3A, %mul3A_1 : i32
    %mul3A_3 = arith.constant 512 : i32
    %mul3A_4 = arith.muli %mul3A_2, %mul3A_3 : i32
    "tpu.region"() ({
      %run_scoped3A = tpu.sem_alloc : memref<!tpu.dma_semaphore, #tpu.memory_space<semaphore_mem>>
      %dma_start3A_89 = tpu.memref_slice %arg4[%mul3A_4] : memref<131072xi32, #tpu.memory_space<hbm>> -> memref<4096xi32, #tpu.memory_space<hbm>>
      %dma_start3A_90 = tpu.memref_slice %arg4[%mul3A_4] : memref<131072xi32, #tpu.memory_space<hbm>> -> memref<4096xi32, #tpu.memory_space<hbm>>
      tpu.enqueue_dma source(%dma_start3A_90 : memref<4096xi32, #tpu.memory_space<hbm>>) target(%arg8 : memref<4096xi32, #tpu.memory_space<vmem>>) target_semaphore(%run_scoped3A : memref<!tpu.dma_semaphore, #tpu.memory_space<semaphore_mem>>)
      %dma_wait3A_91 = tpu.memref_slice %arg4[%mul3A_4] : memref<131072xi32, #tpu.memory_space<hbm>> -> memref<4096xi32, #tpu.memory_space<hbm>>
      %dma_wait3A_92 = tpu.memref_slice %arg4[%mul3A_4] : memref<131072xi32, #tpu.memory_space<hbm>> -> memref<4096xi32, #tpu.memory_space<hbm>>
      tpu.wait_dma2 semaphore(%run_scoped3A : memref<!tpu.dma_semaphore, #tpu.memory_space<semaphore_mem>>) src(%dma_wait3A_92 : memref<4096xi32, #tpu.memory_space<hbm>>) dst(%arg8 : memref<4096xi32, #tpu.memory_space<vmem>>)
      tpu.yield
    }) : () -> ()
    %mul3A_5 = arith.constant 8 : i32
    %mul3A_6 = arith.muli %add3A, %mul3A_5 : i32
    %mul3A_7 = arith.constant 512 : i32
    %mul3A_8 = arith.muli %mul3A_6, %mul3A_7 : i32
    "tpu.region"() ({
      %run_scoped3A = tpu.sem_alloc : memref<!tpu.dma_semaphore, #tpu.memory_space<semaphore_mem>>
      %dma_start3A_89 = tpu.memref_slice %arg5[%mul3A_8] : memref<131072xi32, #tpu.memory_space<hbm>> -> memref<4096xi32, #tpu.memory_space<hbm>>
      %dma_start3A_90 = tpu.memref_slice %arg5[%mul3A_8] : memref<131072xi32, #tpu.memory_space<hbm>> -> memref<4096xi32, #tpu.memory_space<hbm>>
      tpu.enqueue_dma source(%dma_start3A_90 : memref<4096xi32, #tpu.memory_space<hbm>>) target(%arg9 : memref<4096xi32, #tpu.memory_space<vmem>>) target_semaphore(%run_scoped3A : memref<!tpu.dma_semaphore, #tpu.memory_space<semaphore_mem>>)
      %dma_wait3A_91 = tpu.memref_slice %arg5[%mul3A_8] : memref<131072xi32, #tpu.memory_space<hbm>> -> memref<4096xi32, #tpu.memory_space<hbm>>
      %dma_wait3A_92 = tpu.memref_slice %arg5[%mul3A_8] : memref<131072xi32, #tpu.memory_space<hbm>> -> memref<4096xi32, #tpu.memory_space<hbm>>
      tpu.wait_dma2 semaphore(%run_scoped3A : memref<!tpu.dma_semaphore, #tpu.memory_space<semaphore_mem>>) src(%dma_wait3A_92 : memref<4096xi32, #tpu.memory_space<hbm>>) dst(%arg9 : memref<4096xi32, #tpu.memory_space<vmem>>)
      tpu.yield
    }) : () -> ()
    %dma_start3A = arith.constant 0 : i32
    %dma_start3A_9 = tpu.memref_slice %arg2[%dma_start3A] : memref<819200xf32, #tpu.memory_space<hbm>> -> memref<819200xf32, #tpu.memory_space<hbm>>
    tpu.enqueue_indirect_dma source(%dma_start3A_9 : memref<819200xf32, #tpu.memory_space<hbm>>) target(%arg10 : memref<4096xf32, #tpu.memory_space<vmem>>) offsets(%arg8 : memref<4096xi32, #tpu.memory_space<vmem>>) semaphore(%arg15 : memref<!tpu.dma_semaphore, #tpu.memory_space<semaphore_mem>>)
    %dma_start3A_10 = arith.constant 0 : i32
    %dma_start3A_11 = tpu.memref_slice %arg3[%dma_start3A_10] : memref<819200xf32, #tpu.memory_space<hbm>> -> memref<819200xf32, #tpu.memory_space<hbm>>
    tpu.enqueue_indirect_dma source(%dma_start3A_11 : memref<819200xf32, #tpu.memory_space<hbm>>) target(%arg11 : memref<4096xf32, #tpu.memory_space<vmem>>) offsets(%arg9 : memref<4096xi32, #tpu.memory_space<vmem>>) semaphore(%arg15 : memref<!tpu.dma_semaphore, #tpu.memory_space<semaphore_mem>>)
    "tpu.region"() ({
      %run_scoped3A = tpu.sem_alloc : memref<!tpu.dma_semaphore, #tpu.memory_space<semaphore_mem>>
      tpu.enqueue_dma source(%arg6 : memref<32xf32, #tpu.memory_space<hbm>>) target(%arg12 : memref<32xf32, #tpu.memory_space<vmem>>) target_semaphore(%run_scoped3A : memref<!tpu.dma_semaphore, #tpu.memory_space<semaphore_mem>>)
      tpu.wait_dma2 semaphore(%run_scoped3A : memref<!tpu.dma_semaphore, #tpu.memory_space<semaphore_mem>>) src(%arg6 : memref<32xf32, #tpu.memory_space<hbm>>) dst(%arg12 : memref<32xf32, #tpu.memory_space<vmem>>)
      tpu.yield
    }) : () -> ()
    %get3A = arith.constant 0 : index
    %get3A_12 = tpu.vector_load %arg12[%get3A] {strides = array<i32>} : memref<32xf32, #tpu.memory_space<vmem>>, vector<16xf32>,
    %add3A_13 = arith.addf %get3A_12, %get3A_12 : vector<16xf32>
    %exp3A = math.exp %add3A_13 : vector<16xf32>
    %sub3A = arith.constant 1.000000e+00 : f32
    %sub3A_14 = vector.broadcast %sub3A : f32 to vector<16xf32>
    %sub3A_15 = arith.subf %exp3A, %sub3A_14 : vector<16xf32>
    %add3A_16 = arith.constant 1.000000e+00 : f32
    %add3A_17 = vector.broadcast %add3A_16 : f32 to vector<16xf32>
    %add3A_18 = arith.addf %exp3A, %add3A_17 : vector<16xf32>
    %div3A = arith.divf %sub3A_15, %add3A_18 : vector<16xf32>
    %swap3A = arith.constant 0 : index
    %swap3A_19 = tpu.vector_load %arg12[%swap3A] {strides = array<i32>} : memref<32xf32, #tpu.memory_space<vmem>>, vector<16xf32>,
    tpu.vector_store %arg12[%swap3A], %div3A {strides = array<i32>} : memref<32xf32, #tpu.memory_space<vmem>>, vector<16xf32>,
    %get3A_20 = arith.constant 16 : index
    %get3A_21 = tpu.vector_load %arg12[%get3A_20] {strides = array<i32>} : memref<32xf32, #tpu.memory_space<vmem>>, vector<16xf32>,
    %add3A_22 = arith.addf %get3A_21, %get3A_21 : vector<16xf32>
    %exp3A_23 = math.exp %add3A_22 : vector<16xf32>
    %sub3A_24 = arith.constant 1.000000e+00 : f32
    %sub3A_25 = vector.broadcast %sub3A_24 : f32 to vector<16xf32>
    %sub3A_26 = arith.subf %exp3A_23, %sub3A_25 : vector<16xf32>
    %add3A_27 = arith.constant 1.000000e+00 : f32
    %add3A_28 = vector.broadcast %add3A_27 : f32 to vector<16xf32>
    %add3A_29 = arith.addf %exp3A_23, %add3A_28 : vector<16xf32>
    %div3A_30 = arith.divf %sub3A_26, %add3A_29 : vector<16xf32>
    %swap3A_31 = arith.constant 16 : index
    %swap3A_32 = tpu.vector_load %arg12[%swap3A_31] {strides = array<i32>} : memref<32xf32, #tpu.memory_space<vmem>>, vector<16xf32>,
    tpu.vector_store %arg12[%swap3A_31], %div3A_30 {strides = array<i32>} : memref<32xf32, #tpu.memory_space<vmem>>, vector<16xf32>,
    %broadcast_in_dim3A = arith.constant 0 : i32
    %broadcast_in_dim3A_33 = vector.broadcast %broadcast_in_dim3A : i32 to vector<16xi32>
    %gather3A = tpu.vector_load_idx %arg12[%broadcast_in_dim3A_33] : memref<32xf32, #tpu.memory_space<vmem>>[vector<16xi32>], vector<16xf32>,
    %broadcast_in_dim3A_34 = arith.constant 1 : i32
    %broadcast_in_dim3A_35 = vector.broadcast %broadcast_in_dim3A_34 : i32 to vector<16xi32>
    %gather3A_36 = tpu.vector_load_idx %arg12[%broadcast_in_dim3A_35] : memref<32xf32, #tpu.memory_space<vmem>>[vector<16xi32>], vector<16xf32>,
    %broadcast_in_dim3A_37 = arith.constant 2 : i32
    %broadcast_in_dim3A_38 = vector.broadcast %broadcast_in_dim3A_37 : i32 to vector<16xi32>
    %gather3A_39 = tpu.vector_load_idx %arg12[%broadcast_in_dim3A_38] : memref<32xf32, #tpu.memory_space<vmem>>[vector<16xi32>], vector<16xf32>,
    %broadcast_in_dim3A_40 = arith.constant 3 : i32
    %broadcast_in_dim3A_41 = vector.broadcast %broadcast_in_dim3A_40 : i32 to vector<16xi32>
    %gather3A_42 = tpu.vector_load_idx %arg12[%broadcast_in_dim3A_41] : memref<32xf32, #tpu.memory_space<vmem>>[vector<16xi32>], vector<16xf32>,
    %broadcast_in_dim3A_43 = arith.constant 4 : i32
    %broadcast_in_dim3A_44 = vector.broadcast %broadcast_in_dim3A_43 : i32 to vector<16xi32>
    %gather3A_45 = tpu.vector_load_idx %arg12[%broadcast_in_dim3A_44] : memref<32xf32, #tpu.memory_space<vmem>>[vector<16xi32>], vector<16xf32>,
    %broadcast_in_dim3A_46 = arith.constant 5 : i32
    %broadcast_in_dim3A_47 = vector.broadcast %broadcast_in_dim3A_46 : i32 to vector<16xi32>
    %gather3A_48 = tpu.vector_load_idx %arg12[%broadcast_in_dim3A_47] : memref<32xf32, #tpu.memory_space<vmem>>[vector<16xi32>], vector<16xf32>,
    %broadcast_in_dim3A_49 = arith.constant 6 : i32
    %broadcast_in_dim3A_50 = vector.broadcast %broadcast_in_dim3A_49 : i32 to vector<16xi32>
    %gather3A_51 = tpu.vector_load_idx %arg12[%broadcast_in_dim3A_50] : memref<32xf32, #tpu.memory_space<vmem>>[vector<16xi32>], vector<16xf32>,
    %broadcast_in_dim3A_52 = arith.constant 7 : i32
    %broadcast_in_dim3A_53 = vector.broadcast %broadcast_in_dim3A_52 : i32 to vector<16xi32>
    %gather3A_54 = tpu.vector_load_idx %arg12[%broadcast_in_dim3A_53] : memref<32xf32, #tpu.memory_space<vmem>>[vector<16xi32>], vector<16xf32>,
    %broadcast_in_dim3A_55 = arith.constant 8 : i32
    %broadcast_in_dim3A_56 = vector.broadcast %broadcast_in_dim3A_55 : i32 to vector<16xi32>
    %gather3A_57 = tpu.vector_load_idx %arg12[%broadcast_in_dim3A_56] : memref<32xf32, #tpu.memory_space<vmem>>[vector<16xi32>], vector<16xf32>,
    %broadcast_in_dim3A_58 = arith.constant 9 : i32
    %broadcast_in_dim3A_59 = vector.broadcast %broadcast_in_dim3A_58 : i32 to vector<16xi32>
    %gather3A_60 = tpu.vector_load_idx %arg12[%broadcast_in_dim3A_59] : memref<32xf32, #tpu.memory_space<vmem>>[vector<16xi32>], vector<16xf32>,
    %broadcast_in_dim3A_61 = arith.constant 10 : i32
    %broadcast_in_dim3A_62 = vector.broadcast %broadcast_in_dim3A_61 : i32 to vector<16xi32>
    %gather3A_63 = tpu.vector_load_idx %arg12[%broadcast_in_dim3A_62] : memref<32xf32, #tpu.memory_space<vmem>>[vector<16xi32>], vector<16xf32>,
    %broadcast_in_dim3A_64 = arith.constant 11 : i32
    %broadcast_in_dim3A_65 = vector.broadcast %broadcast_in_dim3A_64 : i32 to vector<16xi32>
    %gather3A_66 = tpu.vector_load_idx %arg12[%broadcast_in_dim3A_65] : memref<32xf32, #tpu.memory_space<vmem>>[vector<16xi32>], vector<16xf32>,
    %broadcast_in_dim3A_67 = arith.constant 12 : i32
    %broadcast_in_dim3A_68 = vector.broadcast %broadcast_in_dim3A_67 : i32 to vector<16xi32>
    %gather3A_69 = tpu.vector_load_idx %arg12[%broadcast_in_dim3A_68] : memref<32xf32, #tpu.memory_space<vmem>>[vector<16xi32>], vector<16xf32>,
    %broadcast_in_dim3A_70 = arith.constant 13 : i32
    %broadcast_in_dim3A_71 = vector.broadcast %broadcast_in_dim3A_70 : i32 to vector<16xi32>
    %gather3A_72 = tpu.vector_load_idx %arg12[%broadcast_in_dim3A_71] : memref<32xf32, #tpu.memory_space<vmem>>[vector<16xi32>], vector<16xf32>,
    %broadcast_in_dim3A_73 = arith.constant 14 : i32
    %broadcast_in_dim3A_74 = vector.broadcast %broadcast_in_dim3A_73 : i32 to vector<16xi32>
    %gather3A_75 = tpu.vector_load_idx %arg12[%broadcast_in_dim3A_74] : memref<32xf32, #tpu.memory_space<vmem>>[vector<16xi32>], vector<16xf32>,
    %broadcast_in_dim3A_76 = arith.constant 15 : i32
    %broadcast_in_dim3A_77 = vector.broadcast %broadcast_in_dim3A_76 : i32 to vector<16xi32>
    %gather3A_78 = tpu.vector_load_idx %arg12[%broadcast_in_dim3A_77] : memref<32xf32, #tpu.memory_space<vmem>>[vector<16xi32>], vector<16xf32>,
    %dma_wait3A = arith.constant 0 : i32
    %dma_wait3A_79 = tpu.memref_slice %arg2[%dma_wait3A] : memref<819200xf32, #tpu.memory_space<hbm>> -> memref<819200xf32, #tpu.memory_space<hbm>>
    tpu.wait_indirect_dma semaphore(%arg15 : memref<!tpu.dma_semaphore, #tpu.memory_space<semaphore_mem>>) src(%dma_wait3A_79 : memref<819200xf32, #tpu.memory_space<hbm>>) dst(%arg10 : memref<4096xf32, #tpu.memory_space<vmem>>)
    %dma_wait3A_80 = arith.constant 0 : i32
    %dma_wait3A_81 = tpu.memref_slice %arg3[%dma_wait3A_80] : memref<819200xf32, #tpu.memory_space<hbm>> -> memref<819200xf32, #tpu.memory_space<hbm>>
    tpu.wait_indirect_dma semaphore(%arg15 : memref<!tpu.dma_semaphore, #tpu.memory_space<semaphore_mem>>) src(%dma_wait3A_81 : memref<819200xf32, #tpu.memory_space<hbm>>) dst(%arg11 : memref<4096xf32, #tpu.memory_space<vmem>>)
    %scan3A = arith.constant 0 : i32
    %scan3A_82 = arith.constant 0 : i32
    %scan3A_83 = arith.constant 32 : i32
    %scan3A_84 = arith.addi %scan3A_82, %scan3A_83 : i32
    %scan3A_85 = arith.constant 1 : i32
    scf.for %scan3A_89 = %scan3A_82 to %scan3A_84 step %scan3A_85  : i32 {
      %mul3A_90 = arith.constant 16 : i32
      %mul3A_91 = arith.muli %scan3A_89, %mul3A_90 : i32
      %get3A_92 = arith.index_cast %mul3A_91 : i32 to index
      %get3A_93 = tpu.vector_load %arg10[%get3A_92] {strides = array<i32>} : memref<4096xf32, #tpu.memory_space<vmem>>, vector<16xf32>,
      %mul3A_94 = arith.mulf %get3A_93, %gather3A : vector<16xf32>
      %add3A_95 = arith.constant 512 : i32
      %add3A_96 = arith.addi %add3A_95, %mul3A_91 : i32
      %get3A_97 = arith.index_cast %add3A_96 : i32 to index
      %get3A_98 = tpu.vector_load %arg10[%get3A_97] {strides = array<i32>} : memref<4096xf32, #tpu.memory_space<vmem>>, vector<16xf32>,
      %mul3A_99 = arith.mulf %get3A_98, %gather3A_36 : vector<16xf32>
      %add3A_100 = arith.addf %mul3A_94, %mul3A_99 : vector<16xf32>
      %add3A_101 = arith.constant 1024 : i32
      %add3A_102 = arith.addi %add3A_101, %mul3A_91 : i32
      %get3A_103 = arith.index_cast %add3A_102 : i32 to index
      %get3A_104 = tpu.vector_load %arg10[%get3A_103] {strides = array<i32>} : memref<4096xf32, #tpu.memory_space<vmem>>, vector<16xf32>,
      %mul3A_105 = arith.mulf %get3A_104, %gather3A_39 : vector<16xf32>
      %add3A_106 = arith.addf %add3A_100, %mul3A_105 : vector<16xf32>
      %add3A_107 = arith.constant 1536 : i32
      %add3A_108 = arith.addi %add3A_107, %mul3A_91 : i32
      %get3A_109 = arith.index_cast %add3A_108 : i32 to index
      %get3A_110 = tpu.vector_load %arg10[%get3A_109] {strides = array<i32>} : memref<4096xf32, #tpu.memory_space<vmem>>, vector<16xf32>,
      %mul3A_111 = arith.mulf %get3A_110, %gather3A_42 : vector<16xf32>
      %add3A_112 = arith.addf %add3A_106, %mul3A_111 : vector<16xf32>
      %add3A_113 = arith.constant 2048 : i32
      %add3A_114 = arith.addi %add3A_113, %mul3A_91 : i32
      %get3A_115 = arith.index_cast %add3A_114 : i32 to index
      %get3A_116 = tpu.vector_load %arg10[%get3A_115] {strides = array<i32>} : memref<4096xf32, #tpu.memory_space<vmem>>, vector<16xf32>,
      %mul3A_117 = arith.mulf %get3A_116, %gather3A_45 : vector<16xf32>
      %add3A_118 = arith.addf %add3A_112, %mul3A_117 : vector<16xf32>
      %add3A_119 = arith.constant 2560 : i32
      %add3A_120 = arith.addi %add3A_119, %mul3A_91 : i32
      %get3A_121 = arith.index_cast %add3A_120 : i32 to index
      %get3A_122 = tpu.vector_load %arg10[%get3A_121] {strides = array<i32>} : memref<4096xf32, #tpu.memory_space<vmem>>, vector<16xf32>,
      %mul3A_123 = arith.mulf %get3A_122, %gather3A_48 : vector<16xf32>
      %add3A_124 = arith.addf %add3A_118, %mul3A_123 : vector<16xf32>
      %add3A_125 = arith.constant 3072 : i32
      %add3A_126 = arith.addi %add3A_125, %mul3A_91 : i32
      %get3A_127 = arith.index_cast %add3A_126 : i32 to index
      %get3A_128 = tpu.vector_load %arg10[%get3A_127] {strides = array<i32>} : memref<4096xf32, #tpu.memory_space<vmem>>, vector<16xf32>,
      %mul3A_129 = arith.mulf %get3A_128, %gather3A_51 : vector<16xf32>
      %add3A_130 = arith.addf %add3A_124, %mul3A_129 : vector<16xf32>
      %add3A_131 = arith.constant 3584 : i32
      %add3A_132 = arith.addi %add3A_131, %mul3A_91 : i32
      %get3A_133 = arith.index_cast %add3A_132 : i32 to index
      %get3A_134 = tpu.vector_load %arg10[%get3A_133] {strides = array<i32>} : memref<4096xf32, #tpu.memory_space<vmem>>, vector<16xf32>,
      %mul3A_135 = arith.mulf %get3A_134, %gather3A_54 : vector<16xf32>
      %add3A_136 = arith.addf %add3A_130, %mul3A_135 : vector<16xf32>
      %add3A_137 = arith.constant 0 : i32
      %add3A_138 = arith.addi %add3A_137, %mul3A_91 : i32
      %get3A_139 = arith.index_cast %add3A_138 : i32 to index
      %get3A_140 = tpu.vector_load %arg11[%get3A_139] {strides = array<i32>} : memref<4096xf32, #tpu.memory_space<vmem>>, vector<16xf32>,
      %mul3A_141 = arith.mulf %get3A_140, %gather3A_57 : vector<16xf32>
      %add3A_142 = arith.addf %add3A_136, %mul3A_141 : vector<16xf32>
      %add3A_143 = arith.constant 512 : i32
      %add3A_144 = arith.addi %add3A_143, %mul3A_91 : i32
      %get3A_145 = arith.index_cast %add3A_144 : i32 to index
      %get3A_146 = tpu.vector_load %arg11[%get3A_145] {strides = array<i32>} : memref<4096xf32, #tpu.memory_space<vmem>>, vector<16xf32>,
      %mul3A_147 = arith.mulf %get3A_146, %gather3A_60 : vector<16xf32>
      %add3A_148 = arith.addf %add3A_142, %mul3A_147 : vector<16xf32>
      %add3A_149 = arith.constant 1024 : i32
      %add3A_150 = arith.addi %add3A_149, %mul3A_91 : i32
      %get3A_151 = arith.index_cast %add3A_150 : i32 to index
      %get3A_152 = tpu.vector_load %arg11[%get3A_151] {strides = array<i32>} : memref<4096xf32, #tpu.memory_space<vmem>>, vector<16xf32>,
      %mul3A_153 = arith.mulf %get3A_152, %gather3A_63 : vector<16xf32>
      %add3A_154 = arith.addf %add3A_148, %mul3A_153 : vector<16xf32>
      %add3A_155 = arith.constant 1536 : i32
      %add3A_156 = arith.addi %add3A_155, %mul3A_91 : i32
      %get3A_157 = arith.index_cast %add3A_156 : i32 to index
      %get3A_158 = tpu.vector_load %arg11[%get3A_157] {strides = array<i32>} : memref<4096xf32, #tpu.memory_space<vmem>>, vector<16xf32>,
      %mul3A_159 = arith.mulf %get3A_158, %gather3A_66 : vector<16xf32>
      %add3A_160 = arith.addf %add3A_154, %mul3A_159 : vector<16xf32>
      %add3A_161 = arith.constant 2048 : i32
      %add3A_162 = arith.addi %add3A_161, %mul3A_91 : i32
      %get3A_163 = arith.index_cast %add3A_162 : i32 to index
      %get3A_164 = tpu.vector_load %arg11[%get3A_163] {strides = array<i32>} : memref<4096xf32, #tpu.memory_space<vmem>>, vector<16xf32>,
      %mul3A_165 = arith.mulf %get3A_164, %gather3A_69 : vector<16xf32>
      %add3A_166 = arith.addf %add3A_160, %mul3A_165 : vector<16xf32>
      %add3A_167 = arith.constant 2560 : i32
      %add3A_168 = arith.addi %add3A_167, %mul3A_91 : i32
      %get3A_169 = arith.index_cast %add3A_168 : i32 to index
      %get3A_170 = tpu.vector_load %arg11[%get3A_169] {strides = array<i32>} : memref<4096xf32, #tpu.memory_space<vmem>>, vector<16xf32>,
      %mul3A_171 = arith.mulf %get3A_170, %gather3A_72 : vector<16xf32>
      %add3A_172 = arith.addf %add3A_166, %mul3A_171 : vector<16xf32>
      %add3A_173 = arith.constant 3072 : i32
      %add3A_174 = arith.addi %add3A_173, %mul3A_91 : i32
      %get3A_175 = arith.index_cast %add3A_174 : i32 to index
      %get3A_176 = tpu.vector_load %arg11[%get3A_175] {strides = array<i32>} : memref<4096xf32, #tpu.memory_space<vmem>>, vector<16xf32>,
      %mul3A_177 = arith.mulf %get3A_176, %gather3A_75 : vector<16xf32>
      %add3A_178 = arith.addf %add3A_172, %mul3A_177 : vector<16xf32>
      %add3A_179 = arith.constant 3584 : i32
      %add3A_180 = arith.addi %add3A_179, %mul3A_91 : i32
      %get3A_181 = arith.index_cast %add3A_180 : i32 to index
      %get3A_182 = tpu.vector_load %arg11[%get3A_181] {strides = array<i32>} : memref<4096xf32, #tpu.memory_space<vmem>>, vector<16xf32>,
      %mul3A_183 = arith.mulf %get3A_182, %gather3A_78 : vector<16xf32>
      %add3A_184 = arith.addf %add3A_178, %mul3A_183 : vector<16xf32>
      %swap3A_185 = arith.index_cast %mul3A_91 : i32 to index
      %swap3A_186 = tpu.vector_load %arg14[%swap3A_185] {strides = array<i32>} : memref<512xf32, #tpu.memory_space<vmem>>, vector<16xf32>,
      tpu.vector_store %arg14[%swap3A_185], %add3A_184 {strides = array<i32>} : memref<512xf32, #tpu.memory_space<vmem>>, vector<16xf32>,
    }
    %scan3A_86 = arith.constant 32 : i32
    %mul3A_87 = arith.constant 512 : i32
    %mul3A_88 = arith.muli %add3A, %mul3A_87 : i32
    "tpu.region"() ({
      %run_scoped3A = tpu.sem_alloc : memref<!tpu.dma_semaphore, #tpu.memory_space<semaphore_mem>>
      %dma_start3A_89 = tpu.memref_slice %arg7[%mul3A_88] : memref<16384xf32, #tpu.memory_space<hbm>> -> memref<512xf32, #tpu.memory_space<hbm>>
      %dma_start3A_90 = tpu.memref_slice %arg7[%mul3A_88] : memref<16384xf32, #tpu.memory_space<hbm>> -> memref<512xf32, #tpu.memory_space<hbm>>
      tpu.enqueue_dma source(%arg14 : memref<512xf32, #tpu.memory_space<vmem>>) target(%dma_start3A_90 : memref<512xf32, #tpu.memory_space<hbm>>) target_semaphore(%run_scoped3A : memref<!tpu.dma_semaphore, #tpu.memory_space<semaphore_mem>>)
      %dma_wait3A_91 = tpu.memref_slice %arg7[%mul3A_88] : memref<16384xf32, #tpu.memory_space<hbm>> -> memref<512xf32, #tpu.memory_space<hbm>>
      %dma_wait3A_92 = tpu.memref_slice %arg7[%mul3A_88] : memref<16384xf32, #tpu.memory_space<hbm>> -> memref<512xf32, #tpu.memory_space<hbm>>
      tpu.wait_dma2 semaphore(%run_scoped3A : memref<!tpu.dma_semaphore, #tpu.memory_space<semaphore_mem>>) src(%arg14 : memref<512xf32, #tpu.memory_space<vmem>>) dst(%dma_wait3A_92 : memref<512xf32, #tpu.memory_space<hbm>>)
      tpu.yield
    }) : () -> ()
    return
  }
}

#map = affine_map<(d0, d1) -> (0)>
module attributes {stable_mosaic.version = 14 : i64} {
  func.func @body(%arg0: i32, %arg1: i32, %arg2: memref<512000xf32, #tpu.memory_space<hbm>>, %arg3: memref<512000xf32, #tpu.memory_space<hbm>>, %arg4: memref<81920xi32, #tpu.memory_space<hbm>>, %arg5: memref<81920xi32, #tpu.memory_space<hbm>>, %arg6: memref<32xf32, #tpu.memory_space<hbm>>, %arg7: memref<16384xf32, #tpu.memory_space<hbm>>, %arg8: memref<16384xf32, #tpu.memory_space<hbm>>, %arg9: memref<2560xi32, #tpu.memory_space<vmem>>, %arg10: memref<2560xi32, #tpu.memory_space<vmem>>, %arg11: memref<2560xf32, #tpu.memory_space<vmem>>, %arg12: memref<2560xf32, #tpu.memory_space<vmem>>, %arg13: memref<32xf32, #tpu.memory_space<vmem>>, %arg14: memref<512xf32, #tpu.memory_space<vmem>>, %arg15: memref<512xf32, #tpu.memory_space<vmem>>, %arg16: memref<!tpu.dma_semaphore, #tpu.memory_space<semaphore_mem>>) attributes {dimension_semantics = [#tpu.dimension_semantics<core_parallel>, #tpu.dimension_semantics<subcore_parallel>], iteration_bounds = array<i64: 2, 16>, scalar_prefetch = 0 : i64, scratch_operands = 8 : i64, tpu.core_type = #tpu.core_type<sc_vector_subcore>, window_params = [{transform_indices = #map}, {transform_indices = #map}, {transform_indices = #map}, {transform_indices = #map}, {transform_indices = #map}, {transform_indices = #map}, {transform_indices = #map}]} {
    %mul3A = arith.constant 2 : i32
    %mul3A_0 = arith.muli %arg1, %mul3A : i32
    %add3A = arith.addi %mul3A_0, %arg0 : i32
    %mul3A_1 = arith.constant 5 : i32
    %mul3A_2 = arith.muli %add3A, %mul3A_1 : i32
    %mul3A_3 = arith.constant 512 : i32
    %mul3A_4 = arith.muli %mul3A_2, %mul3A_3 : i32
    "tpu.region"() ({
      %run_scoped3A = tpu.sem_alloc : memref<!tpu.dma_semaphore, #tpu.memory_space<semaphore_mem>>
      %dma_start3A_73 = tpu.memref_slice %arg4[%mul3A_4] : memref<81920xi32, #tpu.memory_space<hbm>> -> memref<2560xi32, #tpu.memory_space<hbm>>
      %dma_start3A_74 = tpu.memref_slice %arg4[%mul3A_4] : memref<81920xi32, #tpu.memory_space<hbm>> -> memref<2560xi32, #tpu.memory_space<hbm>>
      tpu.enqueue_dma source(%dma_start3A_74 : memref<2560xi32, #tpu.memory_space<hbm>>) target(%arg9 : memref<2560xi32, #tpu.memory_space<vmem>>) target_semaphore(%run_scoped3A : memref<!tpu.dma_semaphore, #tpu.memory_space<semaphore_mem>>)
      %dma_wait3A_75 = tpu.memref_slice %arg4[%mul3A_4] : memref<81920xi32, #tpu.memory_space<hbm>> -> memref<2560xi32, #tpu.memory_space<hbm>>
      %dma_wait3A_76 = tpu.memref_slice %arg4[%mul3A_4] : memref<81920xi32, #tpu.memory_space<hbm>> -> memref<2560xi32, #tpu.memory_space<hbm>>
      tpu.wait_dma2 semaphore(%run_scoped3A : memref<!tpu.dma_semaphore, #tpu.memory_space<semaphore_mem>>) src(%dma_wait3A_76 : memref<2560xi32, #tpu.memory_space<hbm>>) dst(%arg9 : memref<2560xi32, #tpu.memory_space<vmem>>)
      tpu.yield
    }) : () -> ()
    %mul3A_5 = arith.constant 5 : i32
    %mul3A_6 = arith.muli %add3A, %mul3A_5 : i32
    %mul3A_7 = arith.constant 512 : i32
    %mul3A_8 = arith.muli %mul3A_6, %mul3A_7 : i32
    "tpu.region"() ({
      %run_scoped3A = tpu.sem_alloc : memref<!tpu.dma_semaphore, #tpu.memory_space<semaphore_mem>>
      %dma_start3A_73 = tpu.memref_slice %arg5[%mul3A_8] : memref<81920xi32, #tpu.memory_space<hbm>> -> memref<2560xi32, #tpu.memory_space<hbm>>
      %dma_start3A_74 = tpu.memref_slice %arg5[%mul3A_8] : memref<81920xi32, #tpu.memory_space<hbm>> -> memref<2560xi32, #tpu.memory_space<hbm>>
      tpu.enqueue_dma source(%dma_start3A_74 : memref<2560xi32, #tpu.memory_space<hbm>>) target(%arg10 : memref<2560xi32, #tpu.memory_space<vmem>>) target_semaphore(%run_scoped3A : memref<!tpu.dma_semaphore, #tpu.memory_space<semaphore_mem>>)
      %dma_wait3A_75 = tpu.memref_slice %arg5[%mul3A_8] : memref<81920xi32, #tpu.memory_space<hbm>> -> memref<2560xi32, #tpu.memory_space<hbm>>
      %dma_wait3A_76 = tpu.memref_slice %arg5[%mul3A_8] : memref<81920xi32, #tpu.memory_space<hbm>> -> memref<2560xi32, #tpu.memory_space<hbm>>
      tpu.wait_dma2 semaphore(%run_scoped3A : memref<!tpu.dma_semaphore, #tpu.memory_space<semaphore_mem>>) src(%dma_wait3A_76 : memref<2560xi32, #tpu.memory_space<hbm>>) dst(%arg10 : memref<2560xi32, #tpu.memory_space<vmem>>)
      tpu.yield
    }) : () -> ()
    %dma_start3A = arith.constant 0 : i32
    %dma_start3A_9 = tpu.memref_slice %arg2[%dma_start3A] : memref<512000xf32, #tpu.memory_space<hbm>> -> memref<512000xf32, #tpu.memory_space<hbm>>
    tpu.enqueue_indirect_dma source(%dma_start3A_9 : memref<512000xf32, #tpu.memory_space<hbm>>) target(%arg11 : memref<2560xf32, #tpu.memory_space<vmem>>) offsets(%arg9 : memref<2560xi32, #tpu.memory_space<vmem>>) semaphore(%arg16 : memref<!tpu.dma_semaphore, #tpu.memory_space<semaphore_mem>>)
    %dma_start3A_10 = arith.constant 0 : i32
    %dma_start3A_11 = tpu.memref_slice %arg3[%dma_start3A_10] : memref<512000xf32, #tpu.memory_space<hbm>> -> memref<512000xf32, #tpu.memory_space<hbm>>
    tpu.enqueue_indirect_dma source(%dma_start3A_11 : memref<512000xf32, #tpu.memory_space<hbm>>) target(%arg12 : memref<2560xf32, #tpu.memory_space<vmem>>) offsets(%arg10 : memref<2560xi32, #tpu.memory_space<vmem>>) semaphore(%arg16 : memref<!tpu.dma_semaphore, #tpu.memory_space<semaphore_mem>>)
    %mul3A_12 = arith.constant 512 : i32
    %mul3A_13 = arith.muli %add3A, %mul3A_12 : i32
    "tpu.region"() ({
      %run_scoped3A = tpu.sem_alloc : memref<!tpu.dma_semaphore, #tpu.memory_space<semaphore_mem>>
      %dma_start3A_73 = tpu.memref_slice %arg7[%mul3A_13] : memref<16384xf32, #tpu.memory_space<hbm>> -> memref<512xf32, #tpu.memory_space<hbm>>
      %dma_start3A_74 = tpu.memref_slice %arg7[%mul3A_13] : memref<16384xf32, #tpu.memory_space<hbm>> -> memref<512xf32, #tpu.memory_space<hbm>>
      tpu.enqueue_dma source(%dma_start3A_74 : memref<512xf32, #tpu.memory_space<hbm>>) target(%arg14 : memref<512xf32, #tpu.memory_space<vmem>>) target_semaphore(%run_scoped3A : memref<!tpu.dma_semaphore, #tpu.memory_space<semaphore_mem>>)
      %dma_wait3A_75 = tpu.memref_slice %arg7[%mul3A_13] : memref<16384xf32, #tpu.memory_space<hbm>> -> memref<512xf32, #tpu.memory_space<hbm>>
      %dma_wait3A_76 = tpu.memref_slice %arg7[%mul3A_13] : memref<16384xf32, #tpu.memory_space<hbm>> -> memref<512xf32, #tpu.memory_space<hbm>>
      tpu.wait_dma2 semaphore(%run_scoped3A : memref<!tpu.dma_semaphore, #tpu.memory_space<semaphore_mem>>) src(%dma_wait3A_76 : memref<512xf32, #tpu.memory_space<hbm>>) dst(%arg14 : memref<512xf32, #tpu.memory_space<vmem>>)
      tpu.yield
    }) : () -> ()
    "tpu.region"() ({
      %run_scoped3A = tpu.sem_alloc : memref<!tpu.dma_semaphore, #tpu.memory_space<semaphore_mem>>
      tpu.enqueue_dma source(%arg6 : memref<32xf32, #tpu.memory_space<hbm>>) target(%arg13 : memref<32xf32, #tpu.memory_space<vmem>>) target_semaphore(%run_scoped3A : memref<!tpu.dma_semaphore, #tpu.memory_space<semaphore_mem>>)
      tpu.wait_dma2 semaphore(%run_scoped3A : memref<!tpu.dma_semaphore, #tpu.memory_space<semaphore_mem>>) src(%arg6 : memref<32xf32, #tpu.memory_space<hbm>>) dst(%arg13 : memref<32xf32, #tpu.memory_space<vmem>>)
      tpu.yield
    }) : () -> ()
    %get3A = arith.constant 0 : index
    %get3A_14 = tpu.vector_load %arg13[%get3A] {strides = array<i32>} : memref<32xf32, #tpu.memory_space<vmem>>, vector<16xf32>,
    %add3A_15 = arith.addf %get3A_14, %get3A_14 : vector<16xf32>
    %exp3A = math.exp %add3A_15 : vector<16xf32>
    %sub3A = arith.constant 1.000000e+00 : f32
    %sub3A_16 = vector.broadcast %sub3A : f32 to vector<16xf32>
    %sub3A_17 = arith.subf %exp3A, %sub3A_16 : vector<16xf32>
    %add3A_18 = arith.constant 1.000000e+00 : f32
    %add3A_19 = vector.broadcast %add3A_18 : f32 to vector<16xf32>
    %add3A_20 = arith.addf %exp3A, %add3A_19 : vector<16xf32>
    %div3A = arith.divf %sub3A_17, %add3A_20 : vector<16xf32>
    %swap3A = arith.constant 0 : index
    %swap3A_21 = tpu.vector_load %arg13[%swap3A] {strides = array<i32>} : memref<32xf32, #tpu.memory_space<vmem>>, vector<16xf32>,
    tpu.vector_store %arg13[%swap3A], %div3A {strides = array<i32>} : memref<32xf32, #tpu.memory_space<vmem>>, vector<16xf32>,
    %get3A_22 = arith.constant 16 : index
    %get3A_23 = tpu.vector_load %arg13[%get3A_22] {strides = array<i32>} : memref<32xf32, #tpu.memory_space<vmem>>, vector<16xf32>,
    %add3A_24 = arith.addf %get3A_23, %get3A_23 : vector<16xf32>
    %exp3A_25 = math.exp %add3A_24 : vector<16xf32>
    %sub3A_26 = arith.constant 1.000000e+00 : f32
    %sub3A_27 = vector.broadcast %sub3A_26 : f32 to vector<16xf32>
    %sub3A_28 = arith.subf %exp3A_25, %sub3A_27 : vector<16xf32>
    %add3A_29 = arith.constant 1.000000e+00 : f32
    %add3A_30 = vector.broadcast %add3A_29 : f32 to vector<16xf32>
    %add3A_31 = arith.addf %exp3A_25, %add3A_30 : vector<16xf32>
    %div3A_32 = arith.divf %sub3A_28, %add3A_31 : vector<16xf32>
    %swap3A_33 = arith.constant 16 : index
    %swap3A_34 = tpu.vector_load %arg13[%swap3A_33] {strides = array<i32>} : memref<32xf32, #tpu.memory_space<vmem>>, vector<16xf32>,
    tpu.vector_store %arg13[%swap3A_33], %div3A_32 {strides = array<i32>} : memref<32xf32, #tpu.memory_space<vmem>>, vector<16xf32>,
    %broadcast_in_dim3A = arith.constant 16 : i32
    %broadcast_in_dim3A_35 = vector.broadcast %broadcast_in_dim3A : i32 to vector<16xi32>
    %gather3A = tpu.vector_load_idx %arg13[%broadcast_in_dim3A_35] : memref<32xf32, #tpu.memory_space<vmem>>[vector<16xi32>], vector<16xf32>,
    %broadcast_in_dim3A_36 = arith.constant 17 : i32
    %broadcast_in_dim3A_37 = vector.broadcast %broadcast_in_dim3A_36 : i32 to vector<16xi32>
    %gather3A_38 = tpu.vector_load_idx %arg13[%broadcast_in_dim3A_37] : memref<32xf32, #tpu.memory_space<vmem>>[vector<16xi32>], vector<16xf32>,
    %broadcast_in_dim3A_39 = arith.constant 18 : i32
    %broadcast_in_dim3A_40 = vector.broadcast %broadcast_in_dim3A_39 : i32 to vector<16xi32>
    %gather3A_41 = tpu.vector_load_idx %arg13[%broadcast_in_dim3A_40] : memref<32xf32, #tpu.memory_space<vmem>>[vector<16xi32>], vector<16xf32>,
    %broadcast_in_dim3A_42 = arith.constant 19 : i32
    %broadcast_in_dim3A_43 = vector.broadcast %broadcast_in_dim3A_42 : i32 to vector<16xi32>
    %gather3A_44 = tpu.vector_load_idx %arg13[%broadcast_in_dim3A_43] : memref<32xf32, #tpu.memory_space<vmem>>[vector<16xi32>], vector<16xf32>,
    %broadcast_in_dim3A_45 = arith.constant 20 : i32
    %broadcast_in_dim3A_46 = vector.broadcast %broadcast_in_dim3A_45 : i32 to vector<16xi32>
    %gather3A_47 = tpu.vector_load_idx %arg13[%broadcast_in_dim3A_46] : memref<32xf32, #tpu.memory_space<vmem>>[vector<16xi32>], vector<16xf32>,
    %broadcast_in_dim3A_48 = arith.constant 21 : i32
    %broadcast_in_dim3A_49 = vector.broadcast %broadcast_in_dim3A_48 : i32 to vector<16xi32>
    %gather3A_50 = tpu.vector_load_idx %arg13[%broadcast_in_dim3A_49] : memref<32xf32, #tpu.memory_space<vmem>>[vector<16xi32>], vector<16xf32>,
    %broadcast_in_dim3A_51 = arith.constant 22 : i32
    %broadcast_in_dim3A_52 = vector.broadcast %broadcast_in_dim3A_51 : i32 to vector<16xi32>
    %gather3A_53 = tpu.vector_load_idx %arg13[%broadcast_in_dim3A_52] : memref<32xf32, #tpu.memory_space<vmem>>[vector<16xi32>], vector<16xf32>,
    %broadcast_in_dim3A_54 = arith.constant 23 : i32
    %broadcast_in_dim3A_55 = vector.broadcast %broadcast_in_dim3A_54 : i32 to vector<16xi32>
    %gather3A_56 = tpu.vector_load_idx %arg13[%broadcast_in_dim3A_55] : memref<32xf32, #tpu.memory_space<vmem>>[vector<16xi32>], vector<16xf32>,
    %broadcast_in_dim3A_57 = arith.constant 24 : i32
    %broadcast_in_dim3A_58 = vector.broadcast %broadcast_in_dim3A_57 : i32 to vector<16xi32>
    %gather3A_59 = tpu.vector_load_idx %arg13[%broadcast_in_dim3A_58] : memref<32xf32, #tpu.memory_space<vmem>>[vector<16xi32>], vector<16xf32>,
    %broadcast_in_dim3A_60 = arith.constant 25 : i32
    %broadcast_in_dim3A_61 = vector.broadcast %broadcast_in_dim3A_60 : i32 to vector<16xi32>
    %gather3A_62 = tpu.vector_load_idx %arg13[%broadcast_in_dim3A_61] : memref<32xf32, #tpu.memory_space<vmem>>[vector<16xi32>], vector<16xf32>,
    %dma_wait3A = arith.constant 0 : i32
    %dma_wait3A_63 = tpu.memref_slice %arg2[%dma_wait3A] : memref<512000xf32, #tpu.memory_space<hbm>> -> memref<512000xf32, #tpu.memory_space<hbm>>
    tpu.wait_indirect_dma semaphore(%arg16 : memref<!tpu.dma_semaphore, #tpu.memory_space<semaphore_mem>>) src(%dma_wait3A_63 : memref<512000xf32, #tpu.memory_space<hbm>>) dst(%arg11 : memref<2560xf32, #tpu.memory_space<vmem>>)
    %dma_wait3A_64 = arith.constant 0 : i32
    %dma_wait3A_65 = tpu.memref_slice %arg3[%dma_wait3A_64] : memref<512000xf32, #tpu.memory_space<hbm>> -> memref<512000xf32, #tpu.memory_space<hbm>>
    tpu.wait_indirect_dma semaphore(%arg16 : memref<!tpu.dma_semaphore, #tpu.memory_space<semaphore_mem>>) src(%dma_wait3A_65 : memref<512000xf32, #tpu.memory_space<hbm>>) dst(%arg12 : memref<2560xf32, #tpu.memory_space<vmem>>)
    %scan3A = arith.constant 0 : i32
    %scan3A_66 = arith.constant 0 : i32
    %scan3A_67 = arith.constant 32 : i32
    %scan3A_68 = arith.addi %scan3A_66, %scan3A_67 : i32
    %scan3A_69 = arith.constant 1 : i32
    scf.for %scan3A_73 = %scan3A_66 to %scan3A_68 step %scan3A_69  : i32 {
      %mul3A_74 = arith.constant 16 : i32
      %mul3A_75 = arith.muli %scan3A_73, %mul3A_74 : i32
      %get3A_76 = arith.index_cast %mul3A_75 : i32 to index
      %get3A_77 = tpu.vector_load %arg11[%get3A_76] {strides = array<i32>} : memref<2560xf32, #tpu.memory_space<vmem>>, vector<16xf32>,
      %mul3A_78 = arith.mulf %get3A_77, %gather3A : vector<16xf32>
      %add3A_79 = arith.constant 512 : i32
      %add3A_80 = arith.addi %add3A_79, %mul3A_75 : i32
      %get3A_81 = arith.index_cast %add3A_80 : i32 to index
      %get3A_82 = tpu.vector_load %arg11[%get3A_81] {strides = array<i32>} : memref<2560xf32, #tpu.memory_space<vmem>>, vector<16xf32>,
      %mul3A_83 = arith.mulf %get3A_82, %gather3A_38 : vector<16xf32>
      %add3A_84 = arith.addf %mul3A_78, %mul3A_83 : vector<16xf32>
      %add3A_85 = arith.constant 1024 : i32
      %add3A_86 = arith.addi %add3A_85, %mul3A_75 : i32
      %get3A_87 = arith.index_cast %add3A_86 : i32 to index
      %get3A_88 = tpu.vector_load %arg11[%get3A_87] {strides = array<i32>} : memref<2560xf32, #tpu.memory_space<vmem>>, vector<16xf32>,
      %mul3A_89 = arith.mulf %get3A_88, %gather3A_41 : vector<16xf32>
      %add3A_90 = arith.addf %add3A_84, %mul3A_89 : vector<16xf32>
      %add3A_91 = arith.constant 1536 : i32
      %add3A_92 = arith.addi %add3A_91, %mul3A_75 : i32
      %get3A_93 = arith.index_cast %add3A_92 : i32 to index
      %get3A_94 = tpu.vector_load %arg11[%get3A_93] {strides = array<i32>} : memref<2560xf32, #tpu.memory_space<vmem>>, vector<16xf32>,
      %mul3A_95 = arith.mulf %get3A_94, %gather3A_44 : vector<16xf32>
      %add3A_96 = arith.addf %add3A_90, %mul3A_95 : vector<16xf32>
      %add3A_97 = arith.constant 2048 : i32
      %add3A_98 = arith.addi %add3A_97, %mul3A_75 : i32
      %get3A_99 = arith.index_cast %add3A_98 : i32 to index
      %get3A_100 = tpu.vector_load %arg11[%get3A_99] {strides = array<i32>} : memref<2560xf32, #tpu.memory_space<vmem>>, vector<16xf32>,
      %mul3A_101 = arith.mulf %get3A_100, %gather3A_47 : vector<16xf32>
      %add3A_102 = arith.addf %add3A_96, %mul3A_101 : vector<16xf32>
      %add3A_103 = arith.constant 0 : i32
      %add3A_104 = arith.addi %add3A_103, %mul3A_75 : i32
      %get3A_105 = arith.index_cast %add3A_104 : i32 to index
      %get3A_106 = tpu.vector_load %arg12[%get3A_105] {strides = array<i32>} : memref<2560xf32, #tpu.memory_space<vmem>>, vector<16xf32>,
      %mul3A_107 = arith.mulf %get3A_106, %gather3A_50 : vector<16xf32>
      %add3A_108 = arith.addf %add3A_102, %mul3A_107 : vector<16xf32>
      %add3A_109 = arith.constant 512 : i32
      %add3A_110 = arith.addi %add3A_109, %mul3A_75 : i32
      %get3A_111 = arith.index_cast %add3A_110 : i32 to index
      %get3A_112 = tpu.vector_load %arg12[%get3A_111] {strides = array<i32>} : memref<2560xf32, #tpu.memory_space<vmem>>, vector<16xf32>,
      %mul3A_113 = arith.mulf %get3A_112, %gather3A_53 : vector<16xf32>
      %add3A_114 = arith.addf %add3A_108, %mul3A_113 : vector<16xf32>
      %add3A_115 = arith.constant 1024 : i32
      %add3A_116 = arith.addi %add3A_115, %mul3A_75 : i32
      %get3A_117 = arith.index_cast %add3A_116 : i32 to index
      %get3A_118 = tpu.vector_load %arg12[%get3A_117] {strides = array<i32>} : memref<2560xf32, #tpu.memory_space<vmem>>, vector<16xf32>,
      %mul3A_119 = arith.mulf %get3A_118, %gather3A_56 : vector<16xf32>
      %add3A_120 = arith.addf %add3A_114, %mul3A_119 : vector<16xf32>
      %add3A_121 = arith.constant 1536 : i32
      %add3A_122 = arith.addi %add3A_121, %mul3A_75 : i32
      %get3A_123 = arith.index_cast %add3A_122 : i32 to index
      %get3A_124 = tpu.vector_load %arg12[%get3A_123] {strides = array<i32>} : memref<2560xf32, #tpu.memory_space<vmem>>, vector<16xf32>,
      %mul3A_125 = arith.mulf %get3A_124, %gather3A_59 : vector<16xf32>
      %add3A_126 = arith.addf %add3A_120, %mul3A_125 : vector<16xf32>
      %add3A_127 = arith.constant 2048 : i32
      %add3A_128 = arith.addi %add3A_127, %mul3A_75 : i32
      %get3A_129 = arith.index_cast %add3A_128 : i32 to index
      %get3A_130 = tpu.vector_load %arg12[%get3A_129] {strides = array<i32>} : memref<2560xf32, #tpu.memory_space<vmem>>, vector<16xf32>,
      %mul3A_131 = arith.mulf %get3A_130, %gather3A_62 : vector<16xf32>
      %add3A_132 = arith.addf %add3A_126, %mul3A_131 : vector<16xf32>
      %get3A_133 = arith.index_cast %mul3A_75 : i32 to index
      %get3A_134 = tpu.vector_load %arg14[%get3A_133] {strides = array<i32>} : memref<512xf32, #tpu.memory_space<vmem>>, vector<16xf32>,
      %add3A_135 = arith.addf %add3A_132, %get3A_134 : vector<16xf32>
      %swap3A_136 = arith.index_cast %mul3A_75 : i32 to index
      %swap3A_137 = tpu.vector_load %arg15[%swap3A_136] {strides = array<i32>} : memref<512xf32, #tpu.memory_space<vmem>>, vector<16xf32>,
      tpu.vector_store %arg15[%swap3A_136], %add3A_135 {strides = array<i32>} : memref<512xf32, #tpu.memory_space<vmem>>, vector<16xf32>,
    }
    %scan3A_70 = arith.constant 32 : i32
    %mul3A_71 = arith.constant 512 : i32
    %mul3A_72 = arith.muli %add3A, %mul3A_71 : i32
    "tpu.region"() ({
      %run_scoped3A = tpu.sem_alloc : memref<!tpu.dma_semaphore, #tpu.memory_space<semaphore_mem>>
      %dma_start3A_73 = tpu.memref_slice %arg8[%mul3A_72] : memref<16384xf32, #tpu.memory_space<hbm>> -> memref<512xf32, #tpu.memory_space<hbm>>
      %dma_start3A_74 = tpu.memref_slice %arg8[%mul3A_72] : memref<16384xf32, #tpu.memory_space<hbm>> -> memref<512xf32, #tpu.memory_space<hbm>>
      tpu.enqueue_dma source(%arg15 : memref<512xf32, #tpu.memory_space<vmem>>) target(%dma_start3A_74 : memref<512xf32, #tpu.memory_space<hbm>>) target_semaphore(%run_scoped3A : memref<!tpu.dma_semaphore, #tpu.memory_space<semaphore_mem>>)
      %dma_wait3A_75 = tpu.memref_slice %arg8[%mul3A_72] : memref<16384xf32, #tpu.memory_space<hbm>> -> memref<512xf32, #tpu.memory_space<hbm>>
      %dma_wait3A_76 = tpu.memref_slice %arg8[%mul3A_72] : memref<16384xf32, #tpu.memory_space<hbm>> -> memref<512xf32, #tpu.memory_space<hbm>>
      tpu.wait_dma2 semaphore(%run_scoped3A : memref<!tpu.dma_semaphore, #tpu.memory_space<semaphore_mem>>) src(%arg15 : memref<512xf32, #tpu.memory_space<vmem>>) dst(%dma_wait3A_76 : memref<512xf32, #tpu.memory_space<hbm>>)
      tpu.yield
    }) : () -> ()
    return
  }
}

#map = affine_map<(d0, d1) -> (0, 0)>
#map1 = affine_map<(d0, d1) -> (0)>
module attributes {stable_mosaic.version = 14 : i64} {
  func.func @_prep_body(%arg0: i32, %arg1: i32, %arg2: memref<26x16384xi32, #tpu.memory_space<hbm>>, %arg3: memref<131072xi32, #tpu.memory_space<hbm>>, %arg4: memref<131072xi32, #tpu.memory_space<hbm>>, %arg5: memref<81920xi32, #tpu.memory_space<hbm>>, %arg6: memref<81920xi32, #tpu.memory_space<hbm>>, %arg7: memref<26x512xi32, #tpu.memory_space<vmem>>, %arg8: memref<4096xi32, #tpu.memory_space<vmem>>, %arg9: memref<!tpu.dma_semaphore, #tpu.memory_space<semaphore_mem>>) attributes {dimension_semantics = [#tpu.dimension_semantics<core_parallel>, #tpu.dimension_semantics<subcore_parallel>], iteration_bounds = array<i64: 2, 16>, scalar_prefetch = 0 : i64, scratch_operands = 3 : i64, tpu.core_type = #tpu.core_type<sc_vector_subcore>, window_params = [{transform_indices = #map}, {transform_indices = #map1}, {transform_indices = #map1}, {transform_indices = #map1}, {transform_indices = #map1}]} {
    %mul3A = arith.constant 2 : i32
    %mul3A_0 = arith.muli %arg1, %mul3A : i32
    %add3A = arith.addi %mul3A_0, %arg0 : i32
    %mul3A_1 = arith.constant 512 : i32
    %mul3A_2 = arith.muli %add3A, %mul3A_1 : i32
    "tpu.region"() ({
      %run_scoped3A = tpu.sem_alloc : memref<!tpu.dma_semaphore, #tpu.memory_space<semaphore_mem>>
      %dma_start3A = arith.constant 0 : i32
      %dma_start3A_42 = tpu.memref_slice %arg2[%dma_start3A, %mul3A_2] : memref<26x16384xi32, #tpu.memory_space<hbm>> -> memref<26x512xi32, #tpu.memory_space<hbm>>
      %dma_start3A_43 = arith.constant 0 : i32
      %dma_start3A_44 = tpu.memref_slice %arg2[%dma_start3A_43, %mul3A_2] : memref<26x16384xi32, #tpu.memory_space<hbm>> -> memref<26x512xi32, #tpu.memory_space<hbm>>
      tpu.enqueue_dma source(%dma_start3A_44 : memref<26x512xi32, #tpu.memory_space<hbm>>) target(%arg7 : memref<26x512xi32, #tpu.memory_space<vmem>>) target_semaphore(%run_scoped3A : memref<!tpu.dma_semaphore, #tpu.memory_space<semaphore_mem>>)
      %dma_wait3A = arith.constant 0 : i32
      %dma_wait3A_45 = tpu.memref_slice %arg2[%dma_wait3A, %mul3A_2] : memref<26x16384xi32, #tpu.memory_space<hbm>> -> memref<26x512xi32, #tpu.memory_space<hbm>>
      %dma_wait3A_46 = arith.constant 0 : i32
      %dma_wait3A_47 = tpu.memref_slice %arg2[%dma_wait3A_46, %mul3A_2] : memref<26x16384xi32, #tpu.memory_space<hbm>> -> memref<26x512xi32, #tpu.memory_space<hbm>>
      tpu.wait_dma2 semaphore(%run_scoped3A : memref<!tpu.dma_semaphore, #tpu.memory_space<semaphore_mem>>) src(%dma_wait3A_47 : memref<26x512xi32, #tpu.memory_space<hbm>>) dst(%arg7 : memref<26x512xi32, #tpu.memory_space<vmem>>)
      tpu.yield
    }) : () -> ()
    %scan3A = arith.constant 0 : i32
    %scan3A_3 = arith.constant 0 : i32
    %scan3A_4 = arith.constant 256 : i32
    %scan3A_5 = arith.addi %scan3A_3, %scan3A_4 : i32
    %scan3A_6 = arith.constant 1 : i32
    scf.for %scan3A_42 = %scan3A_3 to %scan3A_5 step %scan3A_6  : i32 {
      %jit3A = arith.constant 32 : i32
      %div3A = arith.divsi %scan3A_42, %jit3A : i32
      %sign3A = arith.constant 0 : i32
      %sign3A_43 = arith.cmpi sgt, %scan3A_42, %sign3A : i32
      %sign3A_44 = arith.extui %sign3A_43 : i1 to i32
      %sign3A_45 = arith.constant 0 : i32
      %sign3A_46 = arith.cmpi slt, %scan3A_42, %sign3A_45 : i32
      %sign3A_47 = arith.extui %sign3A_46 : i1 to i32
      %sign3A_48 = arith.subi %sign3A_44, %sign3A_47 : i32
      %sign3A_49 = arith.constant 0 : i32
      %sign3A_50 = arith.cmpi sgt, %jit3A, %sign3A_49 : i32
      %sign3A_51 = arith.extui %sign3A_50 : i1 to i32
      %sign3A_52 = arith.constant 0 : i32
      %sign3A_53 = arith.cmpi slt, %jit3A, %sign3A_52 : i32
      %sign3A_54 = arith.extui %sign3A_53 : i1 to i32
      %sign3A_55 = arith.subi %sign3A_51, %sign3A_54 : i32
      %ne3A = arith.cmpi ne, %sign3A_48, %sign3A_55 : i32
      %rem3A = arith.remsi %scan3A_42, %jit3A : i32
      %ne3A_56 = arith.constant 0 : i32
      %ne3A_57 = arith.cmpi ne, %rem3A, %ne3A_56 : i32
      %and3A = arith.andi %ne3A, %ne3A_57 : i1
      %sub3A = arith.constant 1 : i32
      %sub3A_58 = arith.subi %div3A, %sub3A : i32
      %select_n3A = arith.select %and3A, %sub3A_58, %div3A : i32
      %mul3A_59 = arith.constant 32 : i32
      %mul3A_60 = arith.muli %select_n3A, %mul3A_59 : i32
      %sub3A_61 = arith.subi %scan3A_42, %mul3A_60 : i32
      %mul3A_62 = arith.constant 16 : i32
      %mul3A_63 = arith.muli %sub3A_61, %mul3A_62 : i32
      %add3A_64 = arith.constant 0 : i32
      %add3A_65 = arith.addi %add3A_64, %select_n3A : i32
      %get3A = arith.index_cast %add3A_65 : i32 to index
      %get3A_66 = arith.index_cast %mul3A_63 : i32 to index
      %get3A_67 = tpu.vector_load %arg7[%get3A, %get3A_66] {strides = array<i32>} : memref<26x512xi32, #tpu.memory_space<vmem>>, vector<16xi32>,
      %mul3A_68 = arith.constant 102400 : i32
      %mul3A_69 = arith.muli %select_n3A, %mul3A_68 : i32
      %add3A_70 = vector.broadcast %mul3A_69 : i32 to vector<16xi32>
      %add3A_71 = arith.addi %get3A_67, %add3A_70 : vector<16xi32>
      %mul3A_72 = arith.constant 16 : i32
      %mul3A_73 = arith.muli %scan3A_42, %mul3A_72 : i32
      %swap3A = arith.index_cast %mul3A_73 : i32 to index
      %swap3A_74 = tpu.vector_load %arg8[%swap3A] {strides = array<i32>} : memref<4096xi32, #tpu.memory_space<vmem>>, vector<16xi32>,
      tpu.vector_store %arg8[%swap3A], %add3A_71 {strides = array<i32>} : memref<4096xi32, #tpu.memory_space<vmem>>, vector<16xi32>,
    }
    %scan3A_7 = arith.constant 256 : i32
    %mul3A_8 = arith.constant 8 : i32
    %mul3A_9 = arith.muli %add3A, %mul3A_8 : i32
    %mul3A_10 = arith.constant 512 : i32
    %mul3A_11 = arith.muli %mul3A_9, %mul3A_10 : i32
    "tpu.region"() ({
      %run_scoped3A = tpu.sem_alloc : memref<!tpu.dma_semaphore, #tpu.memory_space<semaphore_mem>>
      %dma_start3A = arith.constant 0 : i32
      %dma_start3A_42 = tpu.memref_slice %arg8[%dma_start3A] : memref<4096xi32, #tpu.memory_space<vmem>> -> memref<4096xi32, #tpu.memory_space<vmem>>
      %dma_start3A_43 = tpu.memref_slice %arg3[%mul3A_11] : memref<131072xi32, #tpu.memory_space<hbm>> -> memref<4096xi32, #tpu.memory_space<hbm>>
      %dma_start3A_44 = tpu.memref_slice %arg3[%mul3A_11] : memref<131072xi32, #tpu.memory_space<hbm>> -> memref<4096xi32, #tpu.memory_space<hbm>>
      %dma_start3A_45 = arith.constant 0 : i32
      %dma_start3A_46 = tpu.memref_slice %arg8[%dma_start3A_45] : memref<4096xi32, #tpu.memory_space<vmem>> -> memref<4096xi32, #tpu.memory_space<vmem>>
      tpu.enqueue_dma source(%dma_start3A_46 : memref<4096xi32, #tpu.memory_space<vmem>>) target(%dma_start3A_44 : memref<4096xi32, #tpu.memory_space<hbm>>) target_semaphore(%run_scoped3A : memref<!tpu.dma_semaphore, #tpu.memory_space<semaphore_mem>>)
      %dma_wait3A = arith.constant 0 : i32
      %dma_wait3A_47 = tpu.memref_slice %arg8[%dma_wait3A] : memref<4096xi32, #tpu.memory_space<vmem>> -> memref<4096xi32, #tpu.memory_space<vmem>>
      %dma_wait3A_48 = tpu.memref_slice %arg3[%mul3A_11] : memref<131072xi32, #tpu.memory_space<hbm>> -> memref<4096xi32, #tpu.memory_space<hbm>>
      %dma_wait3A_49 = tpu.memref_slice %arg3[%mul3A_11] : memref<131072xi32, #tpu.memory_space<hbm>> -> memref<4096xi32, #tpu.memory_space<hbm>>
      %dma_wait3A_50 = arith.constant 0 : i32
      %dma_wait3A_51 = tpu.memref_slice %arg8[%dma_wait3A_50] : memref<4096xi32, #tpu.memory_space<vmem>> -> memref<4096xi32, #tpu.memory_space<vmem>>
      tpu.wait_dma2 semaphore(%run_scoped3A : memref<!tpu.dma_semaphore, #tpu.memory_space<semaphore_mem>>) src(%dma_wait3A_51 : memref<4096xi32, #tpu.memory_space<vmem>>) dst(%dma_wait3A_49 : memref<4096xi32, #tpu.memory_space<hbm>>)
      tpu.yield
    }) : () -> ()
    %scan3A_12 = arith.constant 0 : i32
    %scan3A_13 = arith.constant 0 : i32
    %scan3A_14 = arith.constant 256 : i32
    %scan3A_15 = arith.addi %scan3A_13, %scan3A_14 : i32
    %scan3A_16 = arith.constant 1 : i32
    scf.for %scan3A_42 = %scan3A_13 to %scan3A_15 step %scan3A_16  : i32 {
      %jit3A = arith.constant 32 : i32
      %div3A = arith.divsi %scan3A_42, %jit3A : i32
      %sign3A = arith.constant 0 : i32
      %sign3A_43 = arith.cmpi sgt, %scan3A_42, %sign3A : i32
      %sign3A_44 = arith.extui %sign3A_43 : i1 to i32
      %sign3A_45 = arith.constant 0 : i32
      %sign3A_46 = arith.cmpi slt, %scan3A_42, %sign3A_45 : i32
      %sign3A_47 = arith.extui %sign3A_46 : i1 to i32
      %sign3A_48 = arith.subi %sign3A_44, %sign3A_47 : i32
      %sign3A_49 = arith.constant 0 : i32
      %sign3A_50 = arith.cmpi sgt, %jit3A, %sign3A_49 : i32
      %sign3A_51 = arith.extui %sign3A_50 : i1 to i32
      %sign3A_52 = arith.constant 0 : i32
      %sign3A_53 = arith.cmpi slt, %jit3A, %sign3A_52 : i32
      %sign3A_54 = arith.extui %sign3A_53 : i1 to i32
      %sign3A_55 = arith.subi %sign3A_51, %sign3A_54 : i32
      %ne3A = arith.cmpi ne, %sign3A_48, %sign3A_55 : i32
      %rem3A = arith.remsi %scan3A_42, %jit3A : i32
      %ne3A_56 = arith.constant 0 : i32
      %ne3A_57 = arith.cmpi ne, %rem3A, %ne3A_56 : i32
      %and3A = arith.andi %ne3A, %ne3A_57 : i1
      %sub3A = arith.constant 1 : i32
      %sub3A_58 = arith.subi %div3A, %sub3A : i32
      %select_n3A = arith.select %and3A, %sub3A_58, %div3A : i32
      %mul3A_59 = arith.constant 32 : i32
      %mul3A_60 = arith.muli %select_n3A, %mul3A_59 : i32
      %sub3A_61 = arith.subi %scan3A_42, %mul3A_60 : i32
      %mul3A_62 = arith.constant 16 : i32
      %mul3A_63 = arith.muli %sub3A_61, %mul3A_62 : i32
      %add3A_64 = arith.constant 8 : i32
      %add3A_65 = arith.addi %add3A_64, %select_n3A : i32
      %get3A = arith.index_cast %add3A_65 : i32 to index
      %get3A_66 = arith.index_cast %mul3A_63 : i32 to index
      %get3A_67 = tpu.vector_load %arg7[%get3A, %get3A_66] {strides = array<i32>} : memref<26x512xi32, #tpu.memory_space<vmem>>, vector<16xi32>,
      %mul3A_68 = arith.constant 102400 : i32
      %mul3A_69 = arith.muli %select_n3A, %mul3A_68 : i32
      %add3A_70 = vector.broadcast %mul3A_69 : i32 to vector<16xi32>
      %add3A_71 = arith.addi %get3A_67, %add3A_70 : vector<16xi32>
      %mul3A_72 = arith.constant 16 : i32
      %mul3A_73 = arith.muli %scan3A_42, %mul3A_72 : i32
      %swap3A = arith.index_cast %mul3A_73 : i32 to index
      %swap3A_74 = tpu.vector_load %arg8[%swap3A] {strides = array<i32>} : memref<4096xi32, #tpu.memory_space<vmem>>, vector<16xi32>,
      tpu.vector_store %arg8[%swap3A], %add3A_71 {strides = array<i32>} : memref<4096xi32, #tpu.memory_space<vmem>>, vector<16xi32>,
    }
    %scan3A_17 = arith.constant 256 : i32
    %mul3A_18 = arith.constant 8 : i32
    %mul3A_19 = arith.muli %add3A, %mul3A_18 : i32
    %mul3A_20 = arith.constant 512 : i32
    %mul3A_21 = arith.muli %mul3A_19, %mul3A_20 : i32
    "tpu.region"() ({
      %run_scoped3A = tpu.sem_alloc : memref<!tpu.dma_semaphore, #tpu.memory_space<semaphore_mem>>
      %dma_start3A = arith.constant 0 : i32
      %dma_start3A_42 = tpu.memref_slice %arg8[%dma_start3A] : memref<4096xi32, #tpu.memory_space<vmem>> -> memref<4096xi32, #tpu.memory_space<vmem>>
      %dma_start3A_43 = tpu.memref_slice %arg4[%mul3A_21] : memref<131072xi32, #tpu.memory_space<hbm>> -> memref<4096xi32, #tpu.memory_space<hbm>>
      %dma_start3A_44 = tpu.memref_slice %arg4[%mul3A_21] : memref<131072xi32, #tpu.memory_space<hbm>> -> memref<4096xi32, #tpu.memory_space<hbm>>
      %dma_start3A_45 = arith.constant 0 : i32
      %dma_start3A_46 = tpu.memref_slice %arg8[%dma_start3A_45] : memref<4096xi32, #tpu.memory_space<vmem>> -> memref<4096xi32, #tpu.memory_space<vmem>>
      tpu.enqueue_dma source(%dma_start3A_46 : memref<4096xi32, #tpu.memory_space<vmem>>) target(%dma_start3A_44 : memref<4096xi32, #tpu.memory_space<hbm>>) target_semaphore(%run_scoped3A : memref<!tpu.dma_semaphore, #tpu.memory_space<semaphore_mem>>)
      %dma_wait3A = arith.constant 0 : i32
      %dma_wait3A_47 = tpu.memref_slice %arg8[%dma_wait3A] : memref<4096xi32, #tpu.memory_space<vmem>> -> memref<4096xi32, #tpu.memory_space<vmem>>
      %dma_wait3A_48 = tpu.memref_slice %arg4[%mul3A_21] : memref<131072xi32, #tpu.memory_space<hbm>> -> memref<4096xi32, #tpu.memory_space<hbm>>
      %dma_wait3A_49 = tpu.memref_slice %arg4[%mul3A_21] : memref<131072xi32, #tpu.memory_space<hbm>> -> memref<4096xi32, #tpu.memory_space<hbm>>
      %dma_wait3A_50 = arith.constant 0 : i32
      %dma_wait3A_51 = tpu.memref_slice %arg8[%dma_wait3A_50] : memref<4096xi32, #tpu.memory_space<vmem>> -> memref<4096xi32, #tpu.memory_space<vmem>>
      tpu.wait_dma2 semaphore(%run_scoped3A : memref<!tpu.dma_semaphore, #tpu.memory_space<semaphore_mem>>) src(%dma_wait3A_51 : memref<4096xi32, #tpu.memory_space<vmem>>) dst(%dma_wait3A_49 : memref<4096xi32, #tpu.memory_space<hbm>>)
      tpu.yield
    }) : () -> ()
    %scan3A_22 = arith.constant 0 : i32
    %scan3A_23 = arith.constant 0 : i32
    %scan3A_24 = arith.constant 160 : i32
    %scan3A_25 = arith.addi %scan3A_23, %scan3A_24 : i32
    %scan3A_26 = arith.constant 1 : i32
    scf.for %scan3A_42 = %scan3A_23 to %scan3A_25 step %scan3A_26  : i32 {
      %jit3A = arith.constant 32 : i32
      %div3A = arith.divsi %scan3A_42, %jit3A : i32
      %sign3A = arith.constant 0 : i32
      %sign3A_43 = arith.cmpi sgt, %scan3A_42, %sign3A : i32
      %sign3A_44 = arith.extui %sign3A_43 : i1 to i32
      %sign3A_45 = arith.constant 0 : i32
      %sign3A_46 = arith.cmpi slt, %scan3A_42, %sign3A_45 : i32
      %sign3A_47 = arith.extui %sign3A_46 : i1 to i32
      %sign3A_48 = arith.subi %sign3A_44, %sign3A_47 : i32
      %sign3A_49 = arith.constant 0 : i32
      %sign3A_50 = arith.cmpi sgt, %jit3A, %sign3A_49 : i32
      %sign3A_51 = arith.extui %sign3A_50 : i1 to i32
      %sign3A_52 = arith.constant 0 : i32
      %sign3A_53 = arith.cmpi slt, %jit3A, %sign3A_52 : i32
      %sign3A_54 = arith.extui %sign3A_53 : i1 to i32
      %sign3A_55 = arith.subi %sign3A_51, %sign3A_54 : i32
      %ne3A = arith.cmpi ne, %sign3A_48, %sign3A_55 : i32
      %rem3A = arith.remsi %scan3A_42, %jit3A : i32
      %ne3A_56 = arith.constant 0 : i32
      %ne3A_57 = arith.cmpi ne, %rem3A, %ne3A_56 : i32
      %and3A = arith.andi %ne3A, %ne3A_57 : i1
      %sub3A = arith.constant 1 : i32
      %sub3A_58 = arith.subi %div3A, %sub3A : i32
      %select_n3A = arith.select %and3A, %sub3A_58, %div3A : i32
      %mul3A_59 = arith.constant 32 : i32
      %mul3A_60 = arith.muli %select_n3A, %mul3A_59 : i32
      %sub3A_61 = arith.subi %scan3A_42, %mul3A_60 : i32
      %mul3A_62 = arith.constant 16 : i32
      %mul3A_63 = arith.muli %sub3A_61, %mul3A_62 : i32
      %add3A_64 = arith.constant 16 : i32
      %add3A_65 = arith.addi %add3A_64, %select_n3A : i32
      %get3A = arith.index_cast %add3A_65 : i32 to index
      %get3A_66 = arith.index_cast %mul3A_63 : i32 to index
      %get3A_67 = tpu.vector_load %arg7[%get3A, %get3A_66] {strides = array<i32>} : memref<26x512xi32, #tpu.memory_space<vmem>>, vector<16xi32>,
      %mul3A_68 = arith.constant 102400 : i32
      %mul3A_69 = arith.muli %select_n3A, %mul3A_68 : i32
      %add3A_70 = vector.broadcast %mul3A_69 : i32 to vector<16xi32>
      %add3A_71 = arith.addi %get3A_67, %add3A_70 : vector<16xi32>
      %mul3A_72 = arith.constant 16 : i32
      %mul3A_73 = arith.muli %scan3A_42, %mul3A_72 : i32
      %swap3A = arith.index_cast %mul3A_73 : i32 to index
      %swap3A_74 = tpu.vector_load %arg8[%swap3A] {strides = array<i32>} : memref<4096xi32, #tpu.memory_space<vmem>>, vector<16xi32>,
      tpu.vector_store %arg8[%swap3A], %add3A_71 {strides = array<i32>} : memref<4096xi32, #tpu.memory_space<vmem>>, vector<16xi32>,
    }
    %scan3A_27 = arith.constant 160 : i32
    %mul3A_28 = arith.constant 5 : i32
    %mul3A_29 = arith.muli %add3A, %mul3A_28 : i32
    %mul3A_30 = arith.constant 512 : i32
    %mul3A_31 = arith.muli %mul3A_29, %mul3A_30 : i32
    "tpu.region"() ({
      %run_scoped3A = tpu.sem_alloc : memref<!tpu.dma_semaphore, #tpu.memory_space<semaphore_mem>>
      %dma_start3A = arith.constant 0 : i32
      %dma_start3A_42 = tpu.memref_slice %arg8[%dma_start3A] : memref<4096xi32, #tpu.memory_space<vmem>> -> memref<2560xi32, #tpu.memory_space<vmem>>
      %dma_start3A_43 = tpu.memref_slice %arg5[%mul3A_31] : memref<81920xi32, #tpu.memory_space<hbm>> -> memref<2560xi32, #tpu.memory_space<hbm>>
      %dma_start3A_44 = tpu.memref_slice %arg5[%mul3A_31] : memref<81920xi32, #tpu.memory_space<hbm>> -> memref<2560xi32, #tpu.memory_space<hbm>>
      %dma_start3A_45 = arith.constant 0 : i32
      %dma_start3A_46 = tpu.memref_slice %arg8[%dma_start3A_45] : memref<4096xi32, #tpu.memory_space<vmem>> -> memref<2560xi32, #tpu.memory_space<vmem>>
      tpu.enqueue_dma source(%dma_start3A_46 : memref<2560xi32, #tpu.memory_space<vmem>>) target(%dma_start3A_44 : memref<2560xi32, #tpu.memory_space<hbm>>) target_semaphore(%run_scoped3A : memref<!tpu.dma_semaphore, #tpu.memory_space<semaphore_mem>>)
      %dma_wait3A = arith.constant 0 : i32
      %dma_wait3A_47 = tpu.memref_slice %arg8[%dma_wait3A] : memref<4096xi32, #tpu.memory_space<vmem>> -> memref<2560xi32, #tpu.memory_space<vmem>>
      %dma_wait3A_48 = tpu.memref_slice %arg5[%mul3A_31] : memref<81920xi32, #tpu.memory_space<hbm>> -> memref<2560xi32, #tpu.memory_space<hbm>>
      %dma_wait3A_49 = tpu.memref_slice %arg5[%mul3A_31] : memref<81920xi32, #tpu.memory_space<hbm>> -> memref<2560xi32, #tpu.memory_space<hbm>>
      %dma_wait3A_50 = arith.constant 0 : i32
      %dma_wait3A_51 = tpu.memref_slice %arg8[%dma_wait3A_50] : memref<4096xi32, #tpu.memory_space<vmem>> -> memref<2560xi32, #tpu.memory_space<vmem>>
      tpu.wait_dma2 semaphore(%run_scoped3A : memref<!tpu.dma_semaphore, #tpu.memory_space<semaphore_mem>>) src(%dma_wait3A_51 : memref<2560xi32, #tpu.memory_space<vmem>>) dst(%dma_wait3A_49 : memref<2560xi32, #tpu.memory_space<hbm>>)
      tpu.yield
    }) : () -> ()
    %scan3A_32 = arith.constant 0 : i32
    %scan3A_33 = arith.constant 0 : i32
    %scan3A_34 = arith.constant 160 : i32
    %scan3A_35 = arith.addi %scan3A_33, %scan3A_34 : i32
    %scan3A_36 = arith.constant 1 : i32
    scf.for %scan3A_42 = %scan3A_33 to %scan3A_35 step %scan3A_36  : i32 {
      %jit3A = arith.constant 32 : i32
      %div3A = arith.divsi %scan3A_42, %jit3A : i32
      %sign3A = arith.constant 0 : i32
      %sign3A_43 = arith.cmpi sgt, %scan3A_42, %sign3A : i32
      %sign3A_44 = arith.extui %sign3A_43 : i1 to i32
      %sign3A_45 = arith.constant 0 : i32
      %sign3A_46 = arith.cmpi slt, %scan3A_42, %sign3A_45 : i32
      %sign3A_47 = arith.extui %sign3A_46 : i1 to i32
      %sign3A_48 = arith.subi %sign3A_44, %sign3A_47 : i32
      %sign3A_49 = arith.constant 0 : i32
      %sign3A_50 = arith.cmpi sgt, %jit3A, %sign3A_49 : i32
      %sign3A_51 = arith.extui %sign3A_50 : i1 to i32
      %sign3A_52 = arith.constant 0 : i32
      %sign3A_53 = arith.cmpi slt, %jit3A, %sign3A_52 : i32
      %sign3A_54 = arith.extui %sign3A_53 : i1 to i32
      %sign3A_55 = arith.subi %sign3A_51, %sign3A_54 : i32
      %ne3A = arith.cmpi ne, %sign3A_48, %sign3A_55 : i32
      %rem3A = arith.remsi %scan3A_42, %jit3A : i32
      %ne3A_56 = arith.constant 0 : i32
      %ne3A_57 = arith.cmpi ne, %rem3A, %ne3A_56 : i32
      %and3A = arith.andi %ne3A, %ne3A_57 : i1
      %sub3A = arith.constant 1 : i32
      %sub3A_58 = arith.subi %div3A, %sub3A : i32
      %select_n3A = arith.select %and3A, %sub3A_58, %div3A : i32
      %mul3A_59 = arith.constant 32 : i32
      %mul3A_60 = arith.muli %select_n3A, %mul3A_59 : i32
      %sub3A_61 = arith.subi %scan3A_42, %mul3A_60 : i32
      %mul3A_62 = arith.constant 16 : i32
      %mul3A_63 = arith.muli %sub3A_61, %mul3A_62 : i32
      %add3A_64 = arith.constant 21 : i32
      %add3A_65 = arith.addi %add3A_64, %select_n3A : i32
      %get3A = arith.index_cast %add3A_65 : i32 to index
      %get3A_66 = arith.index_cast %mul3A_63 : i32 to index
      %get3A_67 = tpu.vector_load %arg7[%get3A, %get3A_66] {strides = array<i32>} : memref<26x512xi32, #tpu.memory_space<vmem>>, vector<16xi32>,
      %mul3A_68 = arith.constant 102400 : i32
      %mul3A_69 = arith.muli %select_n3A, %mul3A_68 : i32
      %add3A_70 = vector.broadcast %mul3A_69 : i32 to vector<16xi32>
      %add3A_71 = arith.addi %get3A_67, %add3A_70 : vector<16xi32>
      %mul3A_72 = arith.constant 16 : i32
      %mul3A_73 = arith.muli %scan3A_42, %mul3A_72 : i32
      %swap3A = arith.index_cast %mul3A_73 : i32 to index
      %swap3A_74 = tpu.vector_load %arg8[%swap3A] {strides = array<i32>} : memref<4096xi32, #tpu.memory_space<vmem>>, vector<16xi32>,
      tpu.vector_store %arg8[%swap3A], %add3A_71 {strides = array<i32>} : memref<4096xi32, #tpu.memory_space<vmem>>, vector<16xi32>,
    }
    %scan3A_37 = arith.constant 160 : i32
    %mul3A_38 = arith.constant 5 : i32
    %mul3A_39 = arith.muli %add3A, %mul3A_38 : i32
    %mul3A_40 = arith.constant 512 : i32
    %mul3A_41 = arith.muli %mul3A_39, %mul3A_40 : i32
    "tpu.region"() ({
      %run_scoped3A = tpu.sem_alloc : memref<!tpu.dma_semaphore, #tpu.memory_space<semaphore_mem>>
      %dma_start3A = arith.constant 0 : i32
      %dma_start3A_42 = tpu.memref_slice %arg8[%dma_start3A] : memref<4096xi32, #tpu.memory_space<vmem>> -> memref<2560xi32, #tpu.memory_space<vmem>>
      %dma_start3A_43 = tpu.memref_slice %arg6[%mul3A_41] : memref<81920xi32, #tpu.memory_space<hbm>> -> memref<2560xi32, #tpu.memory_space<hbm>>
      %dma_start3A_44 = tpu.memref_slice %arg6[%mul3A_41] : memref<81920xi32, #tpu.memory_space<hbm>> -> memref<2560xi32, #tpu.memory_space<hbm>>
      %dma_start3A_45 = arith.constant 0 : i32
      %dma_start3A_46 = tpu.memref_slice %arg8[%dma_start3A_45] : memref<4096xi32, #tpu.memory_space<vmem>> -> memref<2560xi32, #tpu.memory_space<vmem>>
      tpu.enqueue_dma source(%dma_start3A_46 : memref<2560xi32, #tpu.memory_space<vmem>>) target(%dma_start3A_44 : memref<2560xi32, #tpu.memory_space<hbm>>) target_semaphore(%run_scoped3A : memref<!tpu.dma_semaphore, #tpu.memory_space<semaphore_mem>>)
      %dma_wait3A = arith.constant 0 : i32
      %dma_wait3A_47 = tpu.memref_slice %arg8[%dma_wait3A] : memref<4096xi32, #tpu.memory_space<vmem>> -> memref<2560xi32, #tpu.memory_space<vmem>>
      %dma_wait3A_48 = tpu.memref_slice %arg6[%mul3A_41] : memref<81920xi32, #tpu.memory_space<hbm>> -> memref<2560xi32, #tpu.memory_space<hbm>>
      %dma_wait3A_49 = tpu.memref_slice %arg6[%mul3A_41] : memref<81920xi32, #tpu.memory_space<hbm>> -> memref<2560xi32, #tpu.memory_space<hbm>>
      %dma_wait3A_50 = arith.constant 0 : i32
      %dma_wait3A_51 = tpu.memref_slice %arg8[%dma_wait3A_50] : memref<4096xi32, #tpu.memory_space<vmem>> -> memref<2560xi32, #tpu.memory_space<vmem>>
      tpu.wait_dma2 semaphore(%run_scoped3A : memref<!tpu.dma_semaphore, #tpu.memory_space<semaphore_mem>>) src(%dma_wait3A_51 : memref<2560xi32, #tpu.memory_space<vmem>>) dst(%dma_wait3A_49 : memref<2560xi32, #tpu.memory_space<hbm>>)
      tpu.yield
    }) : () -> ()
    return
  }
}

module attributes {stable_mosaic.version = 14 : i64} {
  func.func @_tc_reduce_body(%arg0: i32, %arg1: memref<1x16x102400xf32, #tpu.memory_space<vmem>>, %arg2: memref<1x16x102400xf32, #tpu.memory_space<vmem>>, %arg3: memref<102400xf32, #tpu.memory_space<vmem>>, %arg4: memref<102400xf32, #tpu.memory_space<vmem>>) attributes {dimension_semantics = [#tpu.dimension_semantics<arbitrary>], iteration_bounds = array<i64: 5>, scalar_prefetch = 0 : i64, scratch_operands = 0 : i64, tpu.core_type = #tpu.core_type<tc>, window_params = [{transform_indices = @transform_0, window_bounds = array<i64: 1, 16, 102400>}, {transform_indices = @transform_1, window_bounds = array<i64: 1, 16, 102400>}, {transform_indices = @transform_2, window_bounds = array<i64: 102400>}, {transform_indices = @transform_3, window_bounds = array<i64: 102400>}]} {
    %get3A = arith.constant 0 : index
    %get3A_0 = arith.constant 0 : index
    %get3A_1 = arith.constant 0 : index
    %get3A_2 = vector.load %arg1[%get3A, %get3A_0, %get3A_1] : memref<1x16x102400xf32, #tpu.memory_space<vmem>>, vector<1x16x102400xf32>
    %get3A_3 = vector.shape_cast %get3A_2 : vector<1x16x102400xf32> to vector<16x102400xf32>
    %reduce_sum3A = arith.constant dense<0.000000e+00> : vector<102400xf32>
    %reduce_sum3A_4 = vector.multi_reduction <add>, %get3A_3, %reduce_sum3A [0] : vector<16x102400xf32> to vector<102400xf32>
    %swap3A = arith.constant 0 : index
    %swap3A_5 = vector.load %arg3[%swap3A] : memref<102400xf32, #tpu.memory_space<vmem>>, vector<102400xf32>
    tpu.vector_store %arg3[%swap3A], %reduce_sum3A_4 {strides = array<i32>} : memref<102400xf32, #tpu.memory_space<vmem>>, vector<102400xf32>,
    %get3A_6 = arith.constant 0 : index
    %get3A_7 = arith.constant 0 : index
    %get3A_8 = arith.constant 0 : index
    %get3A_9 = vector.load %arg2[%get3A_6, %get3A_7, %get3A_8] : memref<1x16x102400xf32, #tpu.memory_space<vmem>>, vector<1x16x102400xf32>
    %get3A_10 = vector.shape_cast %get3A_9 : vector<1x16x102400xf32> to vector<16x102400xf32>
    %reduce_sum3A_11 = arith.constant dense<0.000000e+00> : vector<102400xf32>
    %reduce_sum3A_12 = vector.multi_reduction <add>, %get3A_10, %reduce_sum3A_11 [0] : vector<16x102400xf32> to vector<102400xf32>
    %swap3A_13 = arith.constant 0 : index
    %swap3A_14 = vector.load %arg4[%swap3A_13] : memref<102400xf32, #tpu.memory_space<vmem>>, vector<102400xf32>
    tpu.vector_store %arg4[%swap3A_13], %reduce_sum3A_12 {strides = array<i32>} : memref<102400xf32, #tpu.memory_space<vmem>>, vector<102400xf32>,
    return
  }
  func.func @transform_0(%arg0: i32) -> (i32, i32, i32) {
    %add3A = arith.constant 16 : i32
    %add3A_0 = arith.addi %add3A, %arg0 : i32
    %c0_i32 = arith.constant 0 : i32
    %c0_i32_1 = arith.constant 0 : i32
    %c0_i32_2 = arith.constant 0 : i32
    return %add3A_0, %c0_i32, %c0_i32_1 : i32, i32, i32
  }
  func.func @transform_1(%arg0: i32) -> (i32, i32, i32) {
    %add3A = arith.constant 21 : i32
    %add3A_0 = arith.addi %add3A, %arg0 : i32
    %c0_i32 = arith.constant 0 : i32
    %c0_i32_1 = arith.constant 0 : i32
    %c0_i32_2 = arith.constant 0 : i32
    return %add3A_0, %c0_i32, %c0_i32_1 : i32, i32, i32
  }
  func.func @transform_2(%arg0: i32) -> i32 {
    %c0_i32 = arith.constant 0 : i32
    return %arg0 : i32
  }
  func.func @transform_3(%arg0: i32) -> i32 {
    %c0_i32 = arith.constant 0 : i32
    return %arg0 : i32
  }
}

module attributes {stable_mosaic.version = 14 : i64} {
  func.func @_tc_reduce_body(%arg0: i32, %arg1: memref<1x16x102400xf32, #tpu.memory_space<vmem>>, %arg2: memref<1x16x102400xf32, #tpu.memory_space<vmem>>, %arg3: memref<102400xf32, #tpu.memory_space<vmem>>, %arg4: memref<102400xf32, #tpu.memory_space<vmem>>) attributes {dimension_semantics = [#tpu.dimension_semantics<arbitrary>], iteration_bounds = array<i64: 8>, scalar_prefetch = 0 : i64, scratch_operands = 0 : i64, tpu.core_type = #tpu.core_type<tc>, window_params = [{transform_indices = @transform_0, window_bounds = array<i64: 1, 16, 102400>}, {transform_indices = @transform_1, window_bounds = array<i64: 1, 16, 102400>}, {transform_indices = @transform_2, window_bounds = array<i64: 102400>}, {transform_indices = @transform_3, window_bounds = array<i64: 102400>}]} {
    %get3A = arith.constant 0 : index
    %get3A_0 = arith.constant 0 : index
    %get3A_1 = arith.constant 0 : index
    %get3A_2 = vector.load %arg1[%get3A, %get3A_0, %get3A_1] : memref<1x16x102400xf32, #tpu.memory_space<vmem>>, vector<1x16x102400xf32>
    %get3A_3 = vector.shape_cast %get3A_2 : vector<1x16x102400xf32> to vector<16x102400xf32>
    %reduce_sum3A = arith.constant dense<0.000000e+00> : vector<102400xf32>
    %reduce_sum3A_4 = vector.multi_reduction <add>, %get3A_3, %reduce_sum3A [0] : vector<16x102400xf32> to vector<102400xf32>
    %swap3A = arith.constant 0 : index
    %swap3A_5 = vector.load %arg3[%swap3A] : memref<102400xf32, #tpu.memory_space<vmem>>, vector<102400xf32>
    tpu.vector_store %arg3[%swap3A], %reduce_sum3A_4 {strides = array<i32>} : memref<102400xf32, #tpu.memory_space<vmem>>, vector<102400xf32>,
    %get3A_6 = arith.constant 0 : index
    %get3A_7 = arith.constant 0 : index
    %get3A_8 = arith.constant 0 : index
    %get3A_9 = vector.load %arg2[%get3A_6, %get3A_7, %get3A_8] : memref<1x16x102400xf32, #tpu.memory_space<vmem>>, vector<1x16x102400xf32>
    %get3A_10 = vector.shape_cast %get3A_9 : vector<1x16x102400xf32> to vector<16x102400xf32>
    %reduce_sum3A_11 = arith.constant dense<0.000000e+00> : vector<102400xf32>
    %reduce_sum3A_12 = vector.multi_reduction <add>, %get3A_10, %reduce_sum3A_11 [0] : vector<16x102400xf32> to vector<102400xf32>
    %swap3A_13 = arith.constant 0 : index
    %swap3A_14 = vector.load %arg4[%swap3A_13] : memref<102400xf32, #tpu.memory_space<vmem>>, vector<102400xf32>
    tpu.vector_store %arg4[%swap3A_13], %reduce_sum3A_12 {strides = array<i32>} : memref<102400xf32, #tpu.memory_space<vmem>>, vector<102400xf32>,
    return
  }
  func.func @transform_0(%arg0: i32) -> (i32, i32, i32) {
    %add3A = arith.constant 0 : i32
    %add3A_0 = arith.addi %add3A, %arg0 : i32
    %c0_i32 = arith.constant 0 : i32
    %c0_i32_1 = arith.constant 0 : i32
    %c0_i32_2 = arith.constant 0 : i32
    return %add3A_0, %c0_i32, %c0_i32_1 : i32, i32, i32
  }
  func.func @transform_1(%arg0: i32) -> (i32, i32, i32) {
    %add3A = arith.constant 8 : i32
    %add3A_0 = arith.addi %add3A, %arg0 : i32
    %c0_i32 = arith.constant 0 : i32
    %c0_i32_1 = arith.constant 0 : i32
    %c0_i32_2 = arith.constant 0 : i32
    return %add3A_0, %c0_i32, %c0_i32_1 : i32, i32, i32
  }
  func.func @transform_2(%arg0: i32) -> i32 {
    %c0_i32 = arith.constant 0 : i32
    return %arg0 : i32
  }
  func.func @transform_3(%arg0: i32) -> i32 {
    %c0_i32 = arith.constant 0 : i32
    return %arg0 : i32
  }
}

</mosaic_0001>

<sc_bundles>
// kernel: kernel.10.cloned.1.call-start
scs
__scs_entry_jumppad:
0x0: {  	(pc) =	sbr.rel $0x88, $3  }
0x1: {  	(tag) =	ssettag $0x0;
	lr =	simm.s32 $0x1  }
0x2: {  	[smem:$0x3F9E] =	sst lr;
	_ =	strace $0xD0000000  }
0x3: {  	_ = 	snop  }
0x4: {  	_ = 	snop  }
0x5: {  	_ = 	snop  }
0x6: {  	_ = 	snop  }
0x7: {  	_ = 	snop  }
__scs_overlays_trampoline_lowered:
0x8: {  	[smem:$0x3FAD] =	sst s0  }
0x9: {  	[smem:$0x3FAE] =	sst s1  }
0xa: {  	[smem:$0x3FAF] =	sst s2  }
0xb: {  	[smem:$0x3FB0] =	sst s3  }
0xc: {  	[smem:$0x3FB1] =	sst s4  }
0xd: {  	[smem:$0x3FB2] =	sst s5  }
0xe: {  	[smem:$0x3FB3] =	sst s6  }
0xf: {  	[smem:$0x3FB4] =	sst s7  }
0x10: {  	[smem:$0x3FB5] =	sst s8  }
0x11: {  	[smem:$0x3FB6] =	sst s9;
	s0 =	simm.s32 @!p0 $0x0  }
0x12: {  	s1 =	sld [smem:$0x3F9C];
	s0 =	simm.s32 @p0 $0x1  }
0x13: {  	[smem:$0x3FB7] =	sst s0;
	s0 =	simm.s32 @!p1 $0x0  }
0x14: {  	s2 =	sld [smem:$0x3F9B];
	s0 =	simm.s32 @p1 $0x1  }
0x15: {  	[smem:$0x3FB8] =	sst s0;
	s0 =	simm.s32 @!p2 $0x0  }
0x16: {  	s3 =	sld [smem:$0x3FDB];
	s0 =	simm.s32 @p2 $0x1  }
0x17: {  	s4 =	simm.s32 $0x1BF5;
	[smem:$0x3FBA] =	sst s0  }
0x18: {  	s0 =	sld [smem:$0x3F9D];
	_ =	swait.ge [sflag:s4], $0x0  }
0x19: {  	s7 =	sld [smem:$0x3F9E]  }
0x1a: {  	s8 =	sadd.s32 $0xFFFFE003, lr  }
0x1b: {  	s9 =	sadd.s32 $0xFFFFFEF7, lr;
	s5 =	simm.s32 $0xFFFFFFFF;
	p2 =	slt.u32 s8, $0xFFFFF086  }
0x1c: {  	p1 =	slt.u32 s9, $0xF7A;
	s5 =	simm.s32 @!p2 $0x0  }
0x1d: {  	s5 =	simm.s32 @p1 $0x1;
	p0 =	seq.s32 s7, s2  }
0x1e: {  	s7 =	smul.u32 @!p0 $0xF7A, s2;
	p2 =	seq.s32 @!p0 s5, $0x0  }
0x1f: {  	s9 =	smul.u32 $0xF7A, s1;
	s8 =	simm.s32 @!p0 $0x1BF5;
	p2 =	por !p2, p0  }
0x20: {  	[sflag:s8] =	ssyncset.s32 @!p0 $0xFFFFF086;
	s6 =	sadd.s32 @!p0 s3, s7;
	s7 =	simm.s32 @!p0 $0x108  }
0x21: {  	s3 =	sadd.s32 s3, s9;
	s6 =	sadd.s32 @!p0 $0x88, s6;
	s7 =	simm.s32 @p2 $0x1082  }
0x22: {  	[simem:s7], [sflag:s8] =	dma.local @!p0 [hbm:s6], $0xF7A  }
0x23: {  	s9 =	sor.u32 $0xD0000000, s2;
	s6 =	simm.s32 $0x108;
	_ =	swait.ge @!p0 [sflag:s8], $0x0  }
0x24: {  	s3 =	sadd.s32 $0x88, s3;
	s6 =	simm.s32 @!p1 $0x1082;
	[sflag:s4] =	ssyncset.s32 $0xFFFFF086  }
0x25: {  	[simem:s6], [sflag:s4] =	dma.local [hbm:s3], $0xF7A  }
0x26: {  	[smem:$0x3F9E] =	sst s1;
	(tag) =	ssettag s2;
	_ =	strace s9  }
0x27: {  	s1 =	sld [smem:$0x3FAE]  }
0x28: {  	s2 =	sld [smem:$0x3FAF]  }
0x29: {  	s4 =	sld [smem:$0x3FB1]  }
0x2a: {  	p0 =	seq.s32 s5, $0x0;
	s5 =	sld [smem:$0x3FB2]  }
0x2b: {  	s6 =	sld [smem:$0x3FB3]  }
0x2c: {  	s7 =	sld [smem:$0x3FB4]  }
0x2d: {  	s3 =	simm.s32 $0x108;
	s8 =	sld [smem:$0x3FB5]  }
0x2e: {  	s3 =	simm.s32 @!p0 $0x1082;
	s9 =	sld [smem:$0x3FB6]  }
0x2f: {  	lr =	sadd.s32 s0, s3;
	s0 =	sld [smem:$0x3FAD]  }
0x30: {  	s3 =	sld [smem:$0x3FB0]  }
0x31: {  	[smem:$0x3FB9] =	sst s10  }
0x32: {  	s10 =	sld [smem:$0x3FB7];
	_ =	sdelay $0x3  }
0x33: {  	p0 =	seq.s32 s10, $0x1;
	s10 =	sld [smem:$0x3FB9];
	_ =	sdelay $0x3  }
0x34: {  	[smem:$0x3FB9] =	sst s10  }
0x35: {  	s10 =	sld [smem:$0x3FB8];
	_ =	sdelay $0x3  }
0x36: {  	p1 =	seq.s32 s10, $0x1;
	s10 =	sld [smem:$0x3FB9];
	_ =	sdelay $0x3  }
0x37: {  	[smem:$0x3FB9] =	sst s10  }
0x38: {  	s10 =	sld [smem:$0x3FBA]  }
0x39: {  	_ = 	snop;
	(pc) =	sbr.ind lr, $3  }
0x3a: {  	_ = 	snop  }
0x3b: {  	_ = 	snop  }
0x3c: {  	p2 =	seq.s32 s10, $0x1;
	s10 =	sld [smem:$0x3FB9]  }
0x3d: {  	_ =	shalt  }
0x3e: {  	_ =	shalt  }
0x3f: {  	_ =	shalt  }
0x40: {  	_ =	shalt  }
0x41: {  	_ =	shalt  }
0x42: {  	_ =	shalt  }
0x43: {  	_ =	shalt  }
0x44: {  	_ =	shalt  }
0x45: {  	_ =	shalt  }
0x46: {  	_ =	shalt  }
0x47: {  	_ =	shalt  }
0x48: {  	_ =	shalt  }
0x49: {  	_ =	shalt  }
0x4a: {  	_ =	shalt  }
0x4b: {  	_ =	shalt  }
0x4c: {  	_ =	shalt  }
0x4d: {  	_ =	shalt  }
0x4e: {  	_ =	shalt  }
0x4f: {  	_ =	shalt  }
0x50: {  	_ =	shalt  }
0x51: {  	_ =	shalt  }
0x52: {  	_ =	shalt  }
0x53: {  	_ =	shalt  }
0x54: {  	_ =	shalt  }
0x55: {  	_ =	shalt  }
0x56: {  	_ =	shalt  }
0x57: {  	_ =	shalt  }
0x58: {  	_ =	shalt  }
0x59: {  	_ =	shalt  }
0x5a: {  	_ =	shalt  }
0x5b: {  	_ =	shalt  }
0x5c: {  	_ =	shalt  }
0x5d: {  	_ =	shalt  }
0x5e: {  	_ =	shalt  }
0x5f: {  	_ =	shalt  }
0x60: {  	_ =	shalt  }
0x61: {  	_ =	shalt  }
0x62: {  	_ =	shalt  }
0x63: {  	_ =	shalt  }
0x64: {  	_ =	shalt  }
0x65: {  	_ =	shalt  }
0x66: {  	_ =	shalt  }
0x67: {  	_ =	shalt  }
0x68: {  	_ =	shalt  }
0x69: {  	_ =	shalt  }
0x6a: {  	_ =	shalt  }
0x6b: {  	_ =	shalt  }
0x6c: {  	_ =	shalt  }
0x6d: {  	_ =	shalt  }
0x6e: {  	_ =	shalt  }
0x6f: {  	_ =	shalt  }
0x70: {  	_ =	shalt  }
0x71: {  	_ =	shalt  }
0x72: {  	_ =	shalt  }
0x73: {  	_ =	shalt  }
0x74: {  	_ =	shalt  }
0x75: {  	_ =	shalt  }
0x76: {  	_ =	shalt  }
0x77: {  	_ =	shalt  }
0x78: {  	_ =	shalt  }
0x79: {  	_ =	shalt  }
0x7a: {  	_ =	shalt  }
0x7b: {  	_ =	shalt  }
0x7c: {  	_ =	shalt  }
0x7d: {  	_ =	shalt  }
0x7e: {  	_ =	shalt  }
0x7f: {  	_ =	shalt  }
0x80: {  	_ =	shalt  }
0x81: {  	_ =	shalt  }
0x82: {  	_ =	shalt  }
0x83: {  	_ =	shalt  }
0x84: {  	_ =	shalt  }
0x85: {  	_ =	shalt  }
0x86: {  	_ =	shalt  }
0x87: {  	_ =	shalt  }
.Lfunc_end0:
.L_simem_size_0:
called_computation.1_lowered:
.L_overlay_start_0:
0x88: {  	s2 =	sld [smem:$0x3FD9]  }
0x89: {  	s3 =	sld [smem:$0x3FFE];
	_ =	sdelay $0x1  }
0x8a: {  	s1 =	srdreg.scid  }
0x8b: {  	s0 =	sand.u32 $0x1, s1  }
0x8c: {  	s16 =	sshll.u32 s0, $0xA;
	s2 =	sadd.s32 s3, s2  }
0x8d: {  	s2 =	sadd.s32 s2, s16  }
0x8e: {  	[smem:$0x3FC5] =	sst s2  }
0x8f: {  	_ = 	snop  }
0x90: {  	(tm) =	ssettm $0x1  }
0x91: {  	s17 =	sld [smem:$0x3FFB];
	_ =	sdelay $0x3  }
0x92: {  	_ =	strace s17  }
0x93: {  	s2 =	sld [smem:$0x3FFC];
	_ =	sdelay $0x3  }
0x94: {  	_ =	strace s2  }
0x95: {  	s2 =	sld [smem:$0x3FFD];
	_ =	sdelay $0x3  }
0x96: {  	_ =	strace s2  }
0x97: {  	_ =	strace $0x8FFFFFFF  }
0x98: {  	s18 =	sld [smem:$0x3FDB];
	_ =	sdelay $0x1  }
0x99: {  	s19 =	simm.s32 $_scs_section_size  }
0x9a: {  	s4 =	simm.s32 $_size__tile_overlayer_lowered;
	s5 =	simm.s32 $_tile_overlayer_lowered  }
0x9b: {  	s22 =	simm.s32 $0x1BFF;
	s21 =	sshll.u32 s5, $0x1;
	s2 =	sadd.s32 s19, s18  }
0x9c: {  	s6 =	simm.s32 $0x0;
	s20 =	sshll.u32 s4, $0x1;
	s4 =	sadd.s32 s21, s2  }
0x9d: {  	[timem:s6], [sflag:s22] =	dma.local [hbm:s4], s20  }
0x9e: {  	_ =	swait.ge [sflag:s22], s20  }
0x9f: {  	s3 =	ssub.s32 $0x0, s20;
	[sflag:s22] =	ssyncset.done $0x0  }
0xa0: {  	[sflag:s22] =	ssyncadd.s32 s3;
	_ =	sdelay $0x1  }
0xa1: {  	s23 =	simm.s32 $0x1B8B  }
0xa2: {  	_ =	swait.ge [sflag:s23], $0x1  }
0xa3: {  	[sflag:s23] =	ssyncset.done $0x0  }
0xa4: {  	s25 =	simm.s32 $0x1B8E;
	s24 =	sld [smem:$0x3FFE];
	[sflag:s23] =	ssyncadd.s32 $0xFFFFFFFF  }
0xa5: {  	s26 =	simm.s32 $execute0_lowered;
	[smem:$0x3FD2] =	sst s25  }
0xa6: {  	s4 =	sshll.u32 s26, $0x1;
	_ =	strace $0x80000049;
	[dreg:$0x1] =	wrdreg $0xFFFFFFFF  }
0xa7: {  	s28 =	simm.s32 $_size_execute0_lowered;
	s2 =	sadd.s32 s2, s4;
	[dreg:$0x0] =	wrdreg $0x0  }
0xa8: {  	s4 =	sshll.u32 s28, $0x1;
	[dreg:$0x2] =	wrdreg s2  }
0xa9: {  	[dreg:$0x3] =	wrdreg s4  }
0xaa: {  	[dreg:$0x4] =	wrdreg $0xC0  }
0xab: {  	_ =	task [dreg:s6], $0x5FFFF  }
0xac: {  	[dreg:$0x1] =	wrdreg $0xFFFFFFFF  }
0xad: {  	[dreg:$0x0] =	wrdreg $0x60  }
0xae: {  	[dreg:$0x2] =	wrdreg s24  }
0xaf: {  	[dreg:$0x3] =	wrdreg $0x9  }
0xb0: {  	_ =	task.clear_ibuf [dreg:s6], $0x4FFFF;
	_ =	strace $0x90000049  }
0xb1: {  	s29 =	simm.s32 $0x9;
	_ =	strace $0x8000004B  }
0xb2: {  	_ =	swait.ge [sflag:s29], $0x1  }
0xb3: {  	[sflag:s29] =	ssyncadd.s32 $0xFFFFFFFF  }
0xb4: {  	_ =	strace $0x9000004B  }
0xb5: {  	_ =	sfence  }
0xb6: {  	s30 =	sld [smem:$0x0];
	_ =	sdelay $0x2  }
0xb7: {  	s31 =	sshll.u32 s1, $0xD;
	s1 =	sshrl.u32 s1, $0x2  }
0xb8: {  	s3 =	sand.u32 $0x4000, s31;
	s1 =	sadd.s32 s1, s30  }
0xb9: {  	s0 =	sor.u32 s3, s0;
	s1 =	sshll.u32 s1, $0x11  }
0xba: {  	s0 =	sor.u32 s1, s0  }
0xbb: {  	s0 =	sadd.s32 $0x8F2B, s0  }
0xbc: {  	[sflag:s0] =	ssyncadd.remote.s32 $0x1  }
0xbd: {  	_ =	sfence.sel $0xFFFF  }
0xbe: {  	[dreg:$0x0] =	wrdreg $0xFFFFFFFF;
	(pc) =	sbr.abs _section_cstart, $3  }
0xbf: {  	[dreg:$0x1] =	wrdreg $0xFFFFFFFF  }
0xc0: {  	_ =	task.clear_ibuf [dreg:s6], $0x2FFFF;
	_ =	strace $0x9FFFFFFF  }
0xc1: {  	(tm) =	ssettm $0x7FFFFFFF  }
tec
execute0_lowered:
.L_overlay_start_1:
0x0: {  	(tag) =	ssettag $0x1  }
0x1: {  	s6 =	rddreg [dreg:$0x0]  }
0x2: {  	s0 =	rddreg [dreg:$0x1]  }
0x3: {  	s2 =	simm.s32 $0x0;
	s3 =	srdreg.scid;
	s1 =	stileid.u32  }
0x4: {  	s12 =	simm.s32 $0x2000;
	s13 =	simm.s32 $0x3000;
	s14 =	simm.s32 $0x4000  }
0x5: {  	s15 =	simm.s32 $0x1;
	s16 =	simm.s32 $0x4020;
	s17 =	simm.s32 $0x0  }
0x6: {  	[smem:$0x7FF] =	sst s2;
	s5 =	sand.u32 $0x1, s3;
	s4 =	sshll.u32 s1, $0x1  }
0x7: {  	s3 =	sadd.s32 $0x1BE00, s6;
	_ =	strace $0x8000004A;
	s7 =	sor.u32 s5, s4  }
0x8: {  	v0 =	vimm.s32 $0x1;
	v1 =	vimm.s32 $0x2;
	v2 =	vimm.s32 $0x3;
	s4 =	sadd.s32 $0x34E00, s6;
	s9 =	ssub.s32 $0x2, s5;
	s5 =	sadd.s32 $0x4DE00, s6  }
0x9: {  	v3 =	vimm.s32 $0x4;
	v4 =	vimm.s32 $0x5;
	v5 =	vimm.s32 $0x6;
	s8 =	sshll.u32 s7, $0x9;
	s7 =	sshll.u32 s7, $0x6;
	s10 =	sshrl.u32 s9, $0x1  }
0xa: {  	v6 =	vimm.s32 $0x7;
	v7 =	vimm.s32 $0x8;
	v8 =	vimm.s32 $0x9;
	s8 =	sadd.s32 s8, s6;
	s11 =	sadd.s32 s7, s6;
	s9 =	ssub.s32 s9, s10  }
0xb: {  	v9 =	vimm.s32 $0xA;
	v10 =	vimm.s32 $0xB;
	v11 =	vimm.s32 $0xC;
	s10 =	simm.s32 $0x2;
	s6 =	sadd.s32 $0xEE00, s8;
	s7 =	sadd.s32 $0x12E00, s8  }
0xc: {  	v12 =	vimm.s32 $0xD;
	v13 =	vimm.s32 $0xE;
	v14 =	vimm.s32 $0xF;
	s8 =	sadd.s32 $0x1E00, s11;
	s9 =	smax.u32 s9, $0x1;
	s11 =	simm.s32 $0x1000  }
.LBB2_1:
0xd: {  	[tilespmem:s2], [sflag:$0x2] =	stream.linear.gather [hbm4b:s6+s2], $0x1000, $0x38;
	[tilespmem:$0x4220] =	vst v63  }
0xe: {  	_ =	swait.ge [sflag:s10], $0x1000  }
0xf: {  	[sflag:s10] =	ssyncset.done $0x0  }
0x10: {  	[sflag:s10] =	ssyncadd.s32 $0xFFFFF000  }
0x11: {  	[tilespmem:s11], [sflag:$0x2] =	stream.linear.gather [hbm4b:s7+s2], $0x1000, $0x38;
	[tilespmem:$0x4220] =	vst v63  }
0x12: {  	_ =	swait.ge [sflag:s10], $0x1000  }
0x13: {  	[sflag:s10] =	ssyncset.done $0x0  }
0x14: {  	[sflag:s10] =	ssyncadd.s32 $0xFFFFF000  }
0x15: {  	[tilespmem:s12], [sflag:$0x1] =	stream.indirect.gather [hbm4b:s3+s11], $0x1, s2, s11, $0xb8;
	[tilespmem:$0x4220] =	vst v63  }
0x16: {  	_ = 	snop  }
0x17: {  	[tilespmem:s13], [sflag:$0x1] =	stream.indirect.gather [hbm4b:s4+s11], $0x1, s11, s11, $0xb8;
	[tilespmem:$0x4220] =	vst v63  }
0x18: {  	_ = 	snop  }
0x19: {  	[tilespmem:s14], [sflag:$0x2] =	stream.linear.gather [hbm4b:s5+s2], $0x20, $0x38;
	[tilespmem:$0x4220] =	vst v63  }
0x1a: {  	_ =	swait.ge [sflag:s10], $0x20  }
0x1b: {  	[sflag:s10] =	ssyncset.done $0x0  }
0x1c: {  	[sflag:s10] =	ssyncadd.s32 $0xFFFFFFE0  }
0x1d: {  	v15 =	vld [tilespmem:$0x4000];
	_ =	sdelay $0x4  }
0x1e: {  	v15 =	vadd.f32 v15, v15;
	_ =	sdelay $0x1  }
0x1f: {  	v15 =	vmul.f32 $1.442695020e+00, v15;
	_ =	sdelay $0x1  }
0x20: {  	(erf) = vpow2.f32 v15;
	_ =	sdelay $0x3  }
0x21: {  	v15 =	vld [tilespmem:$0x4010];
	_ =	sdelay $0x4  }
0x22: {  	v15 =	vadd.f32 v15, v15;
	v16 =	vpop (erf)  }
0x23: {  	v17 =	vadd.f32 $1.000000000e+00, v16  }
0x24: {  	v15 =	vmul.f32 $1.442695020e+00, v15  }
0x25: {  	(erf) = vrcp.f32 v17  }
0x26: {  	(erf) = vpow2.f32 v15;
	_ =	sdelay $0x7  }
0x27: {  	v15 =	vpop (erf)  }
0x28: {  	v17 =	vpop (erf)  }
0x29: {  	v18 =	vadd.f32 $1.000000000e+00, v17;
	_ =	sdelay $0x1  }
0x2a: {  	(erf) = vrcp.f32 v18;
	_ =	sdelay $0x4  }
0x2b: {  	v16 =	vadd.f32 $-1.000000000e+00, v16;
	_ =	sdelay $0x2  }
0x2c: {  	v17 =	vadd.f32 $-1.000000000e+00, v17  }
0x2d: {  	v15 =	vmul.f32 v15, v16;
	v16 =	vpop (erf)  }
0x2e: {  	v16 =	vmul.f32 v16, v17  }
0x2f: {  	[tilespmem:$0x4000] =	vst v15  }
0x30: {  	[tilespmem:$0x4010] =	vst v16  }
0x31: {  	v30 =	vld.msk [tilespmem:s14+$0x0], $0xffff  }
0x32: {  	v29 =	vld.idx.msk [tilespmem:v0+s14+$0x0], $0xffff  }
0x33: {  	v28 =	vld.idx.msk [tilespmem:v1+s14+$0x0], $0xffff  }
0x34: {  	v27 =	vld.idx.msk [tilespmem:v2+s14+$0x0], $0xffff  }
0x35: {  	v26 =	vld.idx.msk [tilespmem:v3+s14+$0x0], $0xffff  }
0x36: {  	v25 =	vld.idx.msk [tilespmem:v4+s14+$0x0], $0xffff  }
0x37: {  	v24 =	vld.idx.msk [tilespmem:v5+s14+$0x0], $0xffff  }
0x38: {  	v23 =	vld.idx.msk [tilespmem:v6+s14+$0x0], $0xffff  }
0x39: {  	v22 =	vld.idx.msk [tilespmem:v7+s14+$0x0], $0xffff  }
0x3a: {  	v21 =	vld.idx.msk [tilespmem:v8+s14+$0x0], $0xffff  }
0x3b: {  	v20 =	vld.idx.msk [tilespmem:v9+s14+$0x0], $0xffff  }
0x3c: {  	v19 =	vld.idx.msk [tilespmem:v10+s14+$0x0], $0xffff  }
0x3d: {  	v18 =	vld.idx.msk [tilespmem:v11+s14+$0x0], $0xffff  }
0x3e: {  	v17 =	vld.idx.msk [tilespmem:v12+s14+$0x0], $0xffff  }
0x3f: {  	v16 =	vld.idx.msk [tilespmem:v13+s14+$0x0], $0xffff  }
0x40: {  	v15 =	vld.idx.msk [tilespmem:v14+s14+$0x0], $0xffff;
	_ =	swait.ge [sflag:s15], $0x1000  }
0x41: {  	[sflag:s15] =	ssyncset.done $0x0  }
0x42: {  	[sflag:s15] =	ssyncadd.s32 $0xFFFFF000  }
0x43: {  	_ =	swait.ge [sflag:s15], $0x1000  }
0x44: {  	[sflag:s15] =	ssyncset.done $0x0  }
0x45: {  	s19 =	simm.s32 $0x0;
	[sflag:s15] =	ssyncadd.s32 $0xFFFFF000  }
0x46: {  	v31 =	vld [tilespmem:s19+$0x2000]  }
0x47: {  	v32 =	vld [tilespmem:s19+$0x2200];
	_ =	sdelay $0x1  }
0x48: {  	v33 =	vld [tilespmem:s19+$0x2400];
	_ =	sdelay $0x1  }
0x49: {  	v34 =	vld [tilespmem:s19+$0x2600]  }
0x4a: {  	v31 =	vmul.f32 v31, v30;
	v32 =	vmul.f32 v32, v29  }
0x4b: {  	v35 =	vld [tilespmem:s19+$0x2800]  }
0x4c: {  	v42 =	vmul.f32 v33, v28;
	v31 =	vadd.f32 v32, v31  }
0x4d: {  	v43 =	vld [tilespmem:s19+$0x2A00]  }
0x4e: {  	v44 =	vmul.f32 v34, v27;
	v31 =	vadd.f32 v42, v31  }
0x4f: {  	v45 =	vld [tilespmem:s19+$0x2C00]  }
0x50: {  	v46 =	vmul.f32 v35, v26;
	v31 =	vadd.f32 v44, v31  }
0x51: {  	v47 =	vld [tilespmem:s19+$0x2E00]  }
0x52: {  	s18 =	simm.s32 $0x10;
	v36 =	vld [tilespmem:s19+$0x3000];
	v48 =	vmul.f32 v43, v25;
	v31 =	vadd.f32 v46, v31  }
0x53: {  	v37 =	vld [tilespmem:s18+$0x2000]  }
0x54: {  	v51 =	vld [tilespmem:s18+$0x2200];
	v50 =	vmul.f32 v45, v24;
	v31 =	vadd.f32 v48, v31  }
0x55: {  	v49 =	vld [tilespmem:s19+$0x3200]  }
0x56: {  	v38 =	vld [tilespmem:s18+$0x2400];
	v52 =	vmul.f32 v47, v23;
	v31 =	vadd.f32 v50, v31  }
0x57: {  	v53 =	vld [tilespmem:s19+$0x3400]  }
0x58: {  	v39 =	vld [tilespmem:s18+$0x2600];
	v54 =	vmul.f32 v36, v22;
	v31 =	vadd.f32 v52, v31  }
0x59: {  	v55 =	vld [tilespmem:s19+$0x3600];
	v37 =	vmul.f32 v37, v30;
	v34 =	vmul.f32 v51, v29  }
0x5a: {  	v40 =	vld [tilespmem:s18+$0x2800];
	v33 =	vmul.f32 v49, v21;
	v31 =	vadd.f32 v54, v31  }
0x5b: {  	v56 =	vld [tilespmem:s19+$0x3800];
	v57 =	vmul.f32 v38, v28;
	v34 =	vadd.f32 v34, v37  }
0x5c: {  	v59 =	vld [tilespmem:s18+$0x2A00];
	v35 =	vmul.f32 v53, v20;
	v31 =	vadd.f32 v33, v31  }
0x5d: {  	v58 =	vld [tilespmem:s19+$0x3A00];
	v60 =	vmul.f32 v39, v27;
	v34 =	vadd.f32 v57, v34  }
0x5e: {  	v61 =	vld [tilespmem:s19+$0x3C00];
	v36 =	vmul.f32 v55, v19;
	v31 =	vadd.f32 v35, v31  }
0x5f: {  	v41 =	vld [tilespmem:s18+$0x2C00];
	v62 =	vmul.f32 v40, v26;
	v34 =	vadd.f32 v60, v34  }
0x60: {  	v42 =	vmul.f32 v56, v18;
	v35 =	vld [tilespmem:s19+$0x3E00];
	v36 =	vadd.f32 v36, v31  }
0x61: {  	s20 =	simm.s32 $0x20;
	v38 =	vmul.f32 v59, v25;
	v32 =	vld [tilespmem:s18+$0x2E00];
	v37 =	vadd.f32 v62, v34  }
0x62: {  	v63 =	vmul.f32 v58, v17;
	v34 =	vld [tilespmem:s20+$0x2000];
	v42 =	vadd.f32 v42, v36  }
0x63: {  	v37 =	vadd.f32 v38, v37;
	v33 =	vld [tilespmem:s18+$0x3000]  }
0x64: {  	s21 =	simm.s32 $0xC0;
	v38 =	vmul.f32 v41, v24;
	v31 =	vld [tilespmem:s18+$0x3200];
	v36 =	vmul.f32 v61, v16;
	v39 =	vadd.f32 v63, v42  }
.LBB2_2:
0x65: {  	p0 =	sne.s32 s21, $0x7C0;
	v40 =	vld [tilespmem:s20+$0x2200];
	v35 =	vmul.f32 v35, v15  }
0x66: {  	v37 =	vadd.f32 v38, v37;
	v32 =	vmul.f32 v32, v23;
	v38 =	vld [tilespmem:s18+$0x3400];
	v36 =	vadd.f32 v36, v39  }
0x67: {  	v39 =	vld [tilespmem:s20+$0x2400]  }
0x68: {  	v32 =	vadd.f32 v32, v37;
	v33 =	vmul.f32 v33, v22;
	v37 =	vld [tilespmem:s18+$0x3600];
	v35 =	vadd.f32 v35, v36  }
0x69: {  	v31 =	vmul.f32 v31, v21;
	v36 =	vld [tilespmem:s20+$0x2600]  }
0x6a: {  	v34 =	vmul.f32 v34, v30;
	v40 =	vmul.f32 v40, v29;
	v32 =	vadd.f32 v33, v32;
	v33 =	vld [tilespmem:s18+$0x3800];
	[tilespmem:s19+$0x4020] =	vst v35;
	s19 =	smov.u32 s18;
	s18 =	smov.u32 s20  }
0x6b: {  	v35 =	vld [tilespmem:s18+$0x2800];
	v38 =	vmul.f32 v38, v20  }
0x6c: {  	v34 =	vadd.f32 v40, v34;
	v39 =	vmul.f32 v39, v28;
	v31 =	vadd.f32 v31, v32;
	v40 =	vld [tilespmem:s19+$0x3A00]  }
0x6d: {  	v41 =	vld [tilespmem:s18+$0x2A00];
	v32 =	vmul.f32 v37, v19  }
0x6e: {  	v34 =	vadd.f32 v39, v34;
	v36 =	vmul.f32 v36, v27;
	v31 =	vadd.f32 v38, v31;
	v37 =	vld [tilespmem:s19+$0x3C00]  }
0x6f: {  	v38 =	vld [tilespmem:s18+$0x2C00];
	v33 =	vmul.f32 v33, v18  }
.Ltmp0:
0x70: {  	v34 =	vadd.f32 v36, v34;
	v36 =	vmul.f32 v35, v26;
	v39 =	vadd.f32 v32, v31;
	v35 =	vld [tilespmem:s19+$0x3E00];
	(pc) =	sbr.rel @p0 .LBB2_2-.Ltmp0, $4  }
0x71: {  	v32 =	vld [tilespmem:s18+$0x2E00];
	v40 =	vmul.f32 v40, v17  }
0x72: {  	v42 =	vadd.f32 v36, v34;
	v41 =	vmul.f32 v41, v25;
	v31 =	vld [tilespmem:s18+$0x3200];
	v39 =	vadd.f32 v33, v39  }
0x73: {  	s20 =	sshra.s32 s21, $0x2;
	v33 =	vld [tilespmem:s18+$0x3000];
	v36 =	vmul.f32 v37, v16  }
0x74: {  	s21 =	sadd.s32 $0x40, s21;
	v34 =	vld [tilespmem:s20+$0x2000];
	v37 =	vadd.f32 v41, v42;
	v38 =	vmul.f32 v38, v24;
	v39 =	vadd.f32 v40, v39  }
0x75: {  	v40 =	vld [tilespmem:s20+$0x2200]  }
0x76: {  	v41 =	vld [tilespmem:s18+$0x3400];
	v35 =	vmul.f32 v35, v15;
	v36 =	vadd.f32 v36, v39  }
0x77: {  	v57 =	vld [tilespmem:s20+$0x2400]  }
0x78: {  	v42 =	vld [tilespmem:s18+$0x3600];
	v37 =	vadd.f32 v38, v37;
	v32 =	vmul.f32 v32, v23;
	v35 =	vadd.f32 v35, v36  }
0x79: {  	v58 =	vld [tilespmem:s20+$0x2600];
	v33 =	vmul.f32 v33, v22  }
0x7a: {  	v59 =	vld [tilespmem:s18+$0x3800];
	v32 =	vadd.f32 v32, v37;
	v30 =	vmul.f32 v34, v30;
	v29 =	vmul.f32 v40, v29;
	[tilespmem:s19+$0x4020] =	vst v35  }
0x7b: {  	v31 =	vmul.f32 v31, v21;
	v35 =	vld [tilespmem:s20+$0x2800]  }
0x7c: {  	v32 =	vadd.f32 v33, v32;
	v28 =	vmul.f32 v57, v28;
	v29 =	vadd.f32 v29, v30  }
0x7d: {  	v60 =	vmul.f32 v41, v20;
	v61 =	vld [tilespmem:s20+$0x2A00]  }
0x7e: {  	v27 =	vmul.f32 v58, v27;
	v62 =	vld [tilespmem:s18+$0x3A00];
	v31 =	vadd.f32 v31, v32;
	v28 =	vadd.f32 v28, v29  }
0x7f: {  	v63 =	vmul.f32 v42, v19;
	v40 =	vld [tilespmem:s20+$0x2C00]  }
0x80: {  	v41 =	vld [tilespmem:s18+$0x3C00];
	v30 =	vadd.f32 v60, v31;
	v27 =	vadd.f32 v27, v28;
	v26 =	vmul.f32 v35, v26  }
0x81: {  	v42 =	vmul.f32 v59, v18;
	v43 =	vld [tilespmem:s20+$0x2E00]  }
0x82: {  	v44 =	vld [tilespmem:s18+$0x3E00];
	v29 =	vadd.f32 v63, v30;
	v25 =	vmul.f32 v61, v25;
	v26 =	vadd.f32 v26, v27  }
0x83: {  	v46 =	vld [tilespmem:s20+$0x3000];
	v45 =	vmul.f32 v62, v17  }
0x84: {  	v24 =	vmul.f32 v40, v24;
	v28 =	vadd.f32 v42, v29;
	v25 =	vadd.f32 v25, v26  }
0x85: {  	v47 =	vld [tilespmem:s20+$0x3200];
	v48 =	vmul.f32 v41, v16  }
0x86: {  	v49 =	vmul.f32 v43, v23;
	v27 =	vadd.f32 v45, v28;
	v24 =	vadd.f32 v24, v25  }
0x87: {  	v51 =	vld [tilespmem:s20+$0x3400];
	v50 =	vmul.f32 v44, v15  }
0x88: {  	v52 =	vmul.f32 v46, v22;
	v27 =	vadd.f32 v48, v27;
	v23 =	vadd.f32 v49, v24  }
0x89: {  	v53 =	vld [tilespmem:s20+$0x3600]  }
0x8a: {  	v54 =	vmul.f32 v47, v21;
	v25 =	vadd.f32 v50, v27;
	v22 =	vadd.f32 v52, v23  }
0x8b: {  	v55 =	vld [tilespmem:s20+$0x3800]  }
0x8c: {  	v56 =	vmul.f32 v51, v20;
	[tilespmem:s18+$0x4020] =	vst v25;
	v21 =	vadd.f32 v54, v22  }
0x8d: {  	v57 =	vld [tilespmem:s20+$0x3A00]  }
0x8e: {  	v58 =	vmul.f32 v53, v19;
	v20 =	vadd.f32 v56, v21  }
0x8f: {  	v59 =	vld [tilespmem:s20+$0x3C00]  }
0x90: {  	v60 =	vmul.f32 v55, v18;
	v19 =	vadd.f32 v58, v20  }
0x91: {  	v61 =	vld [tilespmem:s20+$0x3E00]  }
0x92: {  	v62 =	vmul.f32 v57, v17;
	v18 =	vadd.f32 v60, v19;
	_ =	sdelay $0x1  }
0x93: {  	v63 =	vmul.f32 v59, v16;
	v17 =	vadd.f32 v62, v18;
	_ =	sdelay $0x1  }
0x94: {  	v15 =	vmul.f32 v61, v15;
	v16 =	vadd.f32 v63, v17;
	_ =	sdelay $0x1  }
0x95: {  	s17 =	sadd.s32 $0x1, s17;
	v15 =	vadd.f32 v15, v16  }
0x96: {  	p0 =	sne.s32 s17, s9  }
.Ltmp1:
0x97: {  	[tilespmem:s20+$0x4020] =	vst v15;
	(pc) =	sbr.rel @p0 .LBB2_1-.Ltmp1, $4  }
0x98: {  	[hbm4b:s8+s2] =	stream.linear.scatter [tilespmem:s16], [sflag:$0x2], $0x200, $0x38;
	[tilespmem:$0x4220] =	vst v63  }
0x99: {  	_ =	swait.ge [sflag:s10], $0x200  }
0x9a: {  	[sflag:s10] =	ssyncset.done $0x0  }
0x9b: {  	[sflag:s10] =	ssyncadd.s32 $0xFFFFFE00  }
0x9c: {  	_ =	sfence.sel $0x180000  }
0x9d: {  	[bflag:$0x0] =	sbarrier.arrive $0xFFFF  }
0x9e: {  	p0 =	sne.s32 s1, $0x0;
	_ =	strace $0x9000004A  }
0x9f: {  	s0 =	sadd.s32 @!p0 $0x100000, s0;
	[bflag:$0x2] =	sbarrier.arrive $0xFFFF  }
0xa0: {  	[sflag:s0] =	ssyncadd.tile.s32 @!p0 $0x1;
	_ =	shalt  }
.Lfunc_end2:
_tile_overlayer_lowered:
.L_overlay_start_2:
0xa1: {  	(tag) =	ssettag $0x2  }
0xa2: {  	s0 =	rddreg [dreg:$0x0];
	s2 =	stileid.u32  }
0xa3: {  	s1 =	rddreg [dreg:$0x1];
	p0 =	sne.s32 s2, $0x0  }
0xa4: {  	s3 =	rddreg [dreg:$0x2];
	[bflag:$0x3] =	sbarrier.arrive $0xFFFF;
	s2 =	simm.s32 @!p0 $0x1C02  }
0xa5: {  	[timem:s3], [sflag:s2] =	dma.local @!p0 [hbm:s0], s1  }
0xa6: {  	s0 =	simm.s32 @!p0 $0x2  }
0xa7: {  	_ =	swait.ge @!p0 [sflag:s0], s1  }
0xa8: {  	s1 =	ssub.s32 @!p0 $0x0, s1;
	[sflag:s0] =	ssyncset.done @!p0 $0x0  }
0xa9: {  	[sflag:s0] =	ssyncadd.s32 @!p0 s1  }
0xaa: {  	[bflag:$0x3] =	sbarrier.arrive $0xFFFF  }
0xab: {  	_ =	shalt  }

// kernel: kernel.13.cloned.1.call-start
scs
__scs_entry_jumppad:
0x0: {  	(pc) =	sbr.rel $0x88, $3  }
0x1: {  	(tag) =	ssettag $0x0;
	lr =	simm.s32 $0x1  }
0x2: {  	[smem:$0x3F9E] =	sst lr;
	_ =	strace $0xD0000000  }
0x3: {  	_ = 	snop  }
0x4: {  	_ = 	snop  }
0x5: {  	_ = 	snop  }
0x6: {  	_ = 	snop  }
0x7: {  	_ = 	snop  }
__scs_overlays_trampoline_lowered:
0x8: {  	[smem:$0x3FAD] =	sst s0  }
0x9: {  	[smem:$0x3FAE] =	sst s1  }
0xa: {  	[smem:$0x3FAF] =	sst s2  }
0xb: {  	[smem:$0x3FB0] =	sst s3  }
0xc: {  	[smem:$0x3FB1] =	sst s4  }
0xd: {  	[smem:$0x3FB2] =	sst s5  }
0xe: {  	[smem:$0x3FB3] =	sst s6  }
0xf: {  	[smem:$0x3FB4] =	sst s7  }
0x10: {  	[smem:$0x3FB5] =	sst s8  }
0x11: {  	[smem:$0x3FB6] =	sst s9;
	s0 =	simm.s32 @!p0 $0x0  }
0x12: {  	s1 =	sld [smem:$0x3F9C];
	s0 =	simm.s32 @p0 $0x1  }
0x13: {  	[smem:$0x3FB7] =	sst s0;
	s0 =	simm.s32 @!p1 $0x0  }
0x14: {  	s2 =	sld [smem:$0x3F9B];
	s0 =	simm.s32 @p1 $0x1  }
0x15: {  	[smem:$0x3FB8] =	sst s0;
	s0 =	simm.s32 @!p2 $0x0  }
0x16: {  	s3 =	sld [smem:$0x3FDB];
	s0 =	simm.s32 @p2 $0x1  }
0x17: {  	s4 =	simm.s32 $0x1BF5;
	[smem:$0x3FBA] =	sst s0  }
0x18: {  	s0 =	sld [smem:$0x3F9D];
	_ =	swait.ge [sflag:s4], $0x0  }
0x19: {  	s7 =	sld [smem:$0x3F9E]  }
0x1a: {  	s8 =	sadd.s32 $0xFFFFE003, lr  }
0x1b: {  	s9 =	sadd.s32 $0xFFFFFEF7, lr;
	s5 =	simm.s32 $0xFFFFFFFF;
	p2 =	slt.u32 s8, $0xFFFFF086  }
0x1c: {  	p1 =	slt.u32 s9, $0xF7A;
	s5 =	simm.s32 @!p2 $0x0  }
0x1d: {  	s5 =	simm.s32 @p1 $0x1;
	p0 =	seq.s32 s7, s2  }
0x1e: {  	s7 =	smul.u32 @!p0 $0xF7A, s2;
	p2 =	seq.s32 @!p0 s5, $0x0  }
0x1f: {  	s9 =	smul.u32 $0xF7A, s1;
	s8 =	simm.s32 @!p0 $0x1BF5;
	p2 =	por !p2, p0  }
0x20: {  	[sflag:s8] =	ssyncset.s32 @!p0 $0xFFFFF086;
	s6 =	sadd.s32 @!p0 s3, s7;
	s7 =	simm.s32 @!p0 $0x108  }
0x21: {  	s3 =	sadd.s32 s3, s9;
	s6 =	sadd.s32 @!p0 $0x88, s6;
	s7 =	simm.s32 @p2 $0x1082  }
0x22: {  	[simem:s7], [sflag:s8] =	dma.local @!p0 [hbm:s6], $0xF7A  }
0x23: {  	s9 =	sor.u32 $0xD0000000, s2;
	s6 =	simm.s32 $0x108;
	_ =	swait.ge @!p0 [sflag:s8], $0x0  }
0x24: {  	s3 =	sadd.s32 $0x88, s3;
	s6 =	simm.s32 @!p1 $0x1082;
	[sflag:s4] =	ssyncset.s32 $0xFFFFF086  }
0x25: {  	[simem:s6], [sflag:s4] =	dma.local [hbm:s3], $0xF7A  }
0x26: {  	[smem:$0x3F9E] =	sst s1;
	(tag) =	ssettag s2;
	_ =	strace s9  }
0x27: {  	s1 =	sld [smem:$0x3FAE]  }
0x28: {  	s2 =	sld [smem:$0x3FAF]  }
0x29: {  	s4 =	sld [smem:$0x3FB1]  }
0x2a: {  	p0 =	seq.s32 s5, $0x0;
	s5 =	sld [smem:$0x3FB2]  }
0x2b: {  	s6 =	sld [smem:$0x3FB3]  }
0x2c: {  	s7 =	sld [smem:$0x3FB4]  }
0x2d: {  	s3 =	simm.s32 $0x108;
	s8 =	sld [smem:$0x3FB5]  }
0x2e: {  	s3 =	simm.s32 @!p0 $0x1082;
	s9 =	sld [smem:$0x3FB6]  }
0x2f: {  	lr =	sadd.s32 s0, s3;
	s0 =	sld [smem:$0x3FAD]  }
0x30: {  	s3 =	sld [smem:$0x3FB0]  }
0x31: {  	[smem:$0x3FB9] =	sst s10  }
0x32: {  	s10 =	sld [smem:$0x3FB7];
	_ =	sdelay $0x3  }
0x33: {  	p0 =	seq.s32 s10, $0x1;
	s10 =	sld [smem:$0x3FB9];
	_ =	sdelay $0x3  }
0x34: {  	[smem:$0x3FB9] =	sst s10  }
0x35: {  	s10 =	sld [smem:$0x3FB8];
	_ =	sdelay $0x3  }
0x36: {  	p1 =	seq.s32 s10, $0x1;
	s10 =	sld [smem:$0x3FB9];
	_ =	sdelay $0x3  }
0x37: {  	[smem:$0x3FB9] =	sst s10  }
0x38: {  	s10 =	sld [smem:$0x3FBA]  }
0x39: {  	_ = 	snop;
	(pc) =	sbr.ind lr, $3  }
0x3a: {  	_ = 	snop  }
0x3b: {  	_ = 	snop  }
0x3c: {  	p2 =	seq.s32 s10, $0x1;
	s10 =	sld [smem:$0x3FB9]  }
0x3d: {  	_ =	shalt  }
0x3e: {  	_ =	shalt  }
0x3f: {  	_ =	shalt  }
0x40: {  	_ =	shalt  }
0x41: {  	_ =	shalt  }
0x42: {  	_ =	shalt  }
0x43: {  	_ =	shalt  }
0x44: {  	_ =	shalt  }
0x45: {  	_ =	shalt  }
0x46: {  	_ =	shalt  }
0x47: {  	_ =	shalt  }
0x48: {  	_ =	shalt  }
0x49: {  	_ =	shalt  }
0x4a: {  	_ =	shalt  }
0x4b: {  	_ =	shalt  }
0x4c: {  	_ =	shalt  }
0x4d: {  	_ =	shalt  }
0x4e: {  	_ =	shalt  }
0x4f: {  	_ =	shalt  }
0x50: {  	_ =	shalt  }
0x51: {  	_ =	shalt  }
0x52: {  	_ =	shalt  }
0x53: {  	_ =	shalt  }
0x54: {  	_ =	shalt  }
0x55: {  	_ =	shalt  }
0x56: {  	_ =	shalt  }
0x57: {  	_ =	shalt  }
0x58: {  	_ =	shalt  }
0x59: {  	_ =	shalt  }
0x5a: {  	_ =	shalt  }
0x5b: {  	_ =	shalt  }
0x5c: {  	_ =	shalt  }
0x5d: {  	_ =	shalt  }
0x5e: {  	_ =	shalt  }
0x5f: {  	_ =	shalt  }
0x60: {  	_ =	shalt  }
0x61: {  	_ =	shalt  }
0x62: {  	_ =	shalt  }
0x63: {  	_ =	shalt  }
0x64: {  	_ =	shalt  }
0x65: {  	_ =	shalt  }
0x66: {  	_ =	shalt  }
0x67: {  	_ =	shalt  }
0x68: {  	_ =	shalt  }
0x69: {  	_ =	shalt  }
0x6a: {  	_ =	shalt  }
0x6b: {  	_ =	shalt  }
0x6c: {  	_ =	shalt  }
0x6d: {  	_ =	shalt  }
0x6e: {  	_ =	shalt  }
0x6f: {  	_ =	shalt  }
0x70: {  	_ =	shalt  }
0x71: {  	_ =	shalt  }
0x72: {  	_ =	shalt  }
0x73: {  	_ =	shalt  }
0x74: {  	_ =	shalt  }
0x75: {  	_ =	shalt  }
0x76: {  	_ =	shalt  }
0x77: {  	_ =	shalt  }
0x78: {  	_ =	shalt  }
0x79: {  	_ =	shalt  }
0x7a: {  	_ =	shalt  }
0x7b: {  	_ =	shalt  }
0x7c: {  	_ =	shalt  }
0x7d: {  	_ =	shalt  }
0x7e: {  	_ =	shalt  }
0x7f: {  	_ =	shalt  }
0x80: {  	_ =	shalt  }
0x81: {  	_ =	shalt  }
0x82: {  	_ =	shalt  }
0x83: {  	_ =	shalt  }
0x84: {  	_ =	shalt  }
0x85: {  	_ =	shalt  }
0x86: {  	_ =	shalt  }
0x87: {  	_ =	shalt  }
.Lfunc_end0:
.L_simem_size_0:
called_computation.2_lowered:
.L_overlay_start_0:
0x88: {  	s2 =	sld [smem:$0x3FD9]  }
0x89: {  	s3 =	sld [smem:$0x3FFE];
	_ =	sdelay $0x1  }
0x8a: {  	s1 =	srdreg.scid  }
0x8b: {  	s0 =	sand.u32 $0x1, s1  }
0x8c: {  	s17 =	sshll.u32 s0, $0xA;
	s2 =	sadd.s32 s3, s2  }
0x8d: {  	s2 =	sadd.s32 s2, s17  }
0x8e: {  	[smem:$0x3FC5] =	sst s2  }
0x8f: {  	_ = 	snop  }
0x90: {  	s2 =	sld [smem:$0x3FD0];
	(tm) =	ssettm $0x1  }
0x91: {  	s18 =	sld [smem:$0x3FFB];
	_ =	sdelay $0x3  }
0x92: {  	_ =	strace s18  }
0x93: {  	s3 =	sld [smem:$0x3FFC];
	_ =	sdelay $0x3  }
0x94: {  	_ =	strace s3  }
0x95: {  	s3 =	sld [smem:$0x3FFD];
	_ =	sdelay $0x3  }
0x96: {  	_ =	strace s3  }
0x97: {  	_ =	strace $0x8FFFFFFF  }
0x98: {  	s19 =	sld [smem:$0x3FDB];
	_ =	sdelay $0x1  }
0x99: {  	s4 =	simm.s32 $_scs_section_size  }
0x9a: {  	s5 =	simm.s32 $_size__tile_overlayer_lowered;
	s6 =	simm.s32 $_tile_overlayer_lowered  }
0x9b: {  	s22 =	simm.s32 $0x1BFF;
	s21 =	sshll.u32 s6, $0x1;
	s3 =	sadd.s32 s4, s19  }
0x9c: {  	s7 =	simm.s32 $0x0;
	s20 =	sshll.u32 s5, $0x1;
	s5 =	sadd.s32 s21, s3  }
0x9d: {  	[timem:s7], [sflag:s22] =	dma.local [hbm:s5], s20  }
0x9e: {  	_ =	swait.ge [sflag:s22], s20  }
0x9f: {  	s4 =	ssub.s32 $0x0, s20;
	[sflag:s22] =	ssyncset.done $0x0  }
0xa0: {  	[sflag:s22] =	ssyncadd.s32 s4;
	_ =	sdelay $0x1  }
0xa1: {  	s23 =	simm.s32 $0x1B8B  }
0xa2: {  	_ =	swait.ge [sflag:s23], $0x1  }
0xa3: {  	[sflag:s23] =	ssyncset.done $0x0  }
0xa4: {  	s25 =	simm.s32 $0x1B8E;
	s24 =	sld [smem:$0x3FFE];
	[sflag:s23] =	ssyncadd.s32 $0xFFFFFFFF  }
0xa5: {  	s26 =	simm.s32 $execute0_lowered;
	[smem:$0x3FD2] =	sst s25  }
0xa6: {  	s5 =	sshll.u32 s26, $0x1;
	_ =	strace $0x8000004C;
	[dreg:$0x1] =	wrdreg $0xFFFFFFFF  }
0xa7: {  	s28 =	simm.s32 $_size_execute0_lowered;
	s3 =	sadd.s32 s3, s5;
	[dreg:$0x0] =	wrdreg $0x0  }
0xa8: {  	s5 =	sshll.u32 s28, $0x1;
	[dreg:$0x2] =	wrdreg s3  }
0xa9: {  	[dreg:$0x3] =	wrdreg s5  }
0xaa: {  	[dreg:$0x4] =	wrdreg $0xC0  }
0xab: {  	_ =	task [dreg:s7], $0x5FFFF  }
0xac: {  	[dreg:$0x1] =	wrdreg $0xFFFFFFFF  }
0xad: {  	[dreg:$0x0] =	wrdreg $0x60  }
0xae: {  	[dreg:$0x2] =	wrdreg s24  }
0xaf: {  	[dreg:$0x3] =	wrdreg s2  }
0xb0: {  	[dreg:$0x4] =	wrdreg $0x9  }
0xb1: {  	_ =	task.clear_ibuf [dreg:s7], $0x5FFFF;
	_ =	strace $0x9000004C  }
0xb2: {  	s29 =	simm.s32 $0x9;
	_ =	strace $0x8000004E  }
0xb3: {  	_ =	swait.ge [sflag:s29], $0x1  }
0xb4: {  	[sflag:s29] =	ssyncadd.s32 $0xFFFFFFFF  }
0xb5: {  	_ =	strace $0x9000004E  }
0xb6: {  	_ =	sfence  }
0xb7: {  	s30 =	sld [smem:$0x0];
	_ =	sdelay $0x2  }
0xb8: {  	s31 =	sshll.u32 s1, $0xD;
	s1 =	sshrl.u32 s1, $0x2  }
0xb9: {  	s3 =	sand.u32 $0x4000, s31;
	s1 =	sadd.s32 s1, s30  }
0xba: {  	s0 =	sor.u32 s3, s0;
	s1 =	sshll.u32 s1, $0x11  }
0xbb: {  	s0 =	sor.u32 s1, s0  }
0xbc: {  	s0 =	sadd.s32 $0x8F2B, s0  }
0xbd: {  	[sflag:s0] =	ssyncadd.remote.s32 $0x1  }
0xbe: {  	_ =	sfence.sel $0xFFFF  }
0xbf: {  	[dreg:$0x0] =	wrdreg $0xFFFFFFFF;
	(pc) =	sbr.abs _section_cstart, $3  }
0xc0: {  	[dreg:$0x1] =	wrdreg $0xFFFFFFFF  }
0xc1: {  	_ =	task.clear_ibuf [dreg:s7], $0x2FFFF;
	_ =	strace $0x9FFFFFFF  }
0xc2: {  	(tm) =	ssettm $0x7FFFFFFF  }
0xc3: {  	_ =	shalt  }
tec
execute0_lowered:
.L_overlay_start_1:
0x0: {  	(tag) =	ssettag $0x1  }
0x1: {  	s6 =	rddreg [dreg:$0x0];
	s1 =	srdreg.scid  }
0x2: {  	s0 =	stileid.u32;
	s9 =	rddreg [dreg:$0x1];
	s2 =	simm.s32 $0x0  }
0x3: {  	s13 =	simm.s32 $0x1400;
	s14 =	simm.s32 $0x1E00;
	s15 =	simm.s32 $0x2820  }
0x4: {  	s16 =	simm.s32 $0x2800;
	s17 =	simm.s32 $0x1;
	s18 =	simm.s32 $0x2A20  }
0x5: {  	s19 =	simm.s32 $0x0;
	s5 =	sand.u32 $0x1, s1;
	s1 =	rddreg [dreg:$0x2]  }
0x6: {  	s3 =	sshll.u32 s0, $0x1;
	[smem:$0x7FF] =	sst s2;
	s4 =	sadd.s32 $0x5DA00, s6  }
0x7: {  	s7 =	sor.u32 s5, s3;
	_ =	strace $0x8000004D;
	s3 =	sadd.s32 $0x4E000, s6  }
0x8: {  	s30 =	ssub.s32 $0x2, s5;
	s8 =	smul.u32 $0x140, s7;
	s10 =	sshll.u32 s7, $0x6  }
0x9: {  	v0 =	vimm.s32 $0x10;
	s5 =	sadd.s32 $0x4DE00, s6;
	s31 =	sshrl.u32 s30, $0x1;
	s11 =	sadd.s32 s10, s6  }
0xa: {  	v1 =	vimm.s32 $0x11;
	v2 =	vimm.s32 $0x12;
	v3 =	vimm.s32 $0x13;
	s12 =	ssub.s32 s30, s31;
	s9 =	sadd.s32 s9, s10;
	s8 =	sadd.s32 s8, s6  }
0xb: {  	v4 =	vimm.s32 $0x14;
	v5 =	vimm.s32 $0x15;
	v6 =	vimm.s32 $0x16;
	s10 =	smax.u32 s12, $0x1;
	s12 =	simm.s32 $0xA00;
	s6 =	sadd.s32 $0x16E00, s8  }
0xc: {  	v7 =	vimm.s32 $0x17;
	v8 =	vimm.s32 $0x18;
	v9 =	vimm.s32 $0x19;
	s7 =	sadd.s32 $0x19600, s8;
	s8 =	sadd.s32 $0x1E00, s11;
	s11 =	simm.s32 $0x2  }
.LBB2_1:
0xd: {  	[tilespmem:s2], [sflag:$0x2] =	stream.linear.gather [hbm4b:s6+s2], $0xA00, $0x38;
	[tilespmem:$0x2C20] =	vst v63  }
0xe: {  	_ =	swait.ge [sflag:s11], $0xA00  }
0xf: {  	[sflag:s11] =	ssyncset.done $0x0  }
0x10: {  	[sflag:s11] =	ssyncadd.s32 $0xFFFFF600  }
0x11: {  	[tilespmem:s12], [sflag:$0x2] =	stream.linear.gather [hbm4b:s7+s2], $0xA00, $0x38;
	[tilespmem:$0x2C20] =	vst v63  }
0x12: {  	_ =	swait.ge [sflag:s11], $0xA00  }
0x13: {  	[sflag:s11] =	ssyncset.done $0x0  }
0x14: {  	[sflag:s11] =	ssyncadd.s32 $0xFFFFF600  }
0x15: {  	[tilespmem:s13], [sflag:$0x1] =	stream.indirect.gather [hbm4b:s3+s12], $0x1, s2, s12, $0xb8;
	[tilespmem:$0x2C20] =	vst v63  }
0x16: {  	_ = 	snop  }
0x17: {  	[tilespmem:s14], [sflag:$0x1] =	stream.indirect.gather [hbm4b:s4+s12], $0x1, s12, s12, $0xb8;
	[tilespmem:$0x2C20] =	vst v63  }
0x18: {  	_ = 	snop  }
0x19: {  	[tilespmem:s15], [sflag:$0x2] =	stream.linear.gather [hbm4b:s8+s2], $0x200, $0x38;
	[tilespmem:$0x2C20] =	vst v63  }
0x1a: {  	_ =	swait.ge [sflag:s11], $0x200  }
0x1b: {  	[sflag:s11] =	ssyncset.done $0x0  }
0x1c: {  	[sflag:s11] =	ssyncadd.s32 $0xFFFFFE00  }
0x1d: {  	[tilespmem:s16], [sflag:$0x2] =	stream.linear.gather [hbm4b:s5+s2], $0x20, $0x38;
	[tilespmem:$0x2C20] =	vst v63  }
0x1e: {  	_ =	swait.ge [sflag:s11], $0x20  }
0x1f: {  	[sflag:s11] =	ssyncset.done $0x0  }
0x20: {  	[sflag:s11] =	ssyncadd.s32 $0xFFFFFFE0  }
0x21: {  	v10 =	vld [tilespmem:$0x2800];
	_ =	sdelay $0x4  }
0x22: {  	v10 =	vadd.f32 v10, v10;
	_ =	sdelay $0x1  }
0x23: {  	v10 =	vmul.f32 $1.442695020e+00, v10;
	_ =	sdelay $0x1  }
0x24: {  	(erf) = vpow2.f32 v10;
	_ =	sdelay $0x3  }
0x25: {  	v10 =	vld [tilespmem:$0x2810];
	_ =	sdelay $0x4  }
0x26: {  	v10 =	vadd.f32 v10, v10;
	v11 =	vpop (erf)  }
0x27: {  	v12 =	vadd.f32 $1.000000000e+00, v11  }
0x28: {  	v10 =	vmul.f32 $1.442695020e+00, v10  }
0x29: {  	(erf) = vrcp.f32 v12  }
0x2a: {  	(erf) = vpow2.f32 v10;
	_ =	sdelay $0x7  }
0x2b: {  	v10 =	vpop (erf)  }
0x2c: {  	v12 =	vpop (erf)  }
0x2d: {  	v13 =	vadd.f32 $1.000000000e+00, v12;
	_ =	sdelay $0x1  }
0x2e: {  	(erf) = vrcp.f32 v13;
	_ =	sdelay $0x4  }
0x2f: {  	v11 =	vadd.f32 $-1.000000000e+00, v11;
	_ =	sdelay $0x2  }
0x30: {  	v12 =	vadd.f32 $-1.000000000e+00, v12  }
0x31: {  	v10 =	vmul.f32 v10, v11;
	v11 =	vpop (erf)  }
0x32: {  	v11 =	vmul.f32 v11, v12  }
0x33: {  	[tilespmem:$0x2800] =	vst v10  }
0x34: {  	[tilespmem:$0x2810] =	vst v11  }
0x35: {  	v18 =	vld.idx.msk [tilespmem:v0+s16+$0x0], $0xffff  }
0x36: {  	v19 =	vld.idx.msk [tilespmem:v1+s16+$0x0], $0xffff  }
0x37: {  	v17 =	vld.idx.msk [tilespmem:v2+s16+$0x0], $0xffff  }
0x38: {  	v16 =	vld.idx.msk [tilespmem:v3+s16+$0x0], $0xffff  }
0x39: {  	v15 =	vld.idx.msk [tilespmem:v4+s16+$0x0], $0xffff  }
0x3a: {  	v14 =	vld.idx.msk [tilespmem:v5+s16+$0x0], $0xffff  }
0x3b: {  	v13 =	vld.idx.msk [tilespmem:v6+s16+$0x0], $0xffff  }
0x3c: {  	v12 =	vld.idx.msk [tilespmem:v7+s16+$0x0], $0xffff  }
0x3d: {  	v11 =	vld.idx.msk [tilespmem:v8+s16+$0x0], $0xffff  }
0x3e: {  	v10 =	vld.idx.msk [tilespmem:v9+s16+$0x0], $0xffff;
	_ =	swait.ge [sflag:s17], $0xA00  }
0x3f: {  	[sflag:s17] =	ssyncset.done $0x0  }
0x40: {  	[sflag:s17] =	ssyncadd.s32 $0xFFFFF600  }
0x41: {  	_ =	swait.ge [sflag:s17], $0xA00  }
0x42: {  	[sflag:s17] =	ssyncset.done $0x0  }
0x43: {  	s21 =	simm.s32 $0x0;
	[sflag:s17] =	ssyncadd.s32 $0xFFFFF600  }
0x44: {  	v20 =	vld [tilespmem:s21+$0x1400]  }
0x45: {  	v21 =	vld [tilespmem:s21+$0x1600];
	_ =	sdelay $0x1  }
0x46: {  	v22 =	vld [tilespmem:s21+$0x1800];
	_ =	sdelay $0x1  }
0x47: {  	v23 =	vld [tilespmem:s21+$0x1A00]  }
0x48: {  	v20 =	vmul.f32 v20, v18;
	v21 =	vmul.f32 v21, v19  }
0x49: {  	v24 =	vld [tilespmem:s21+$0x1C00]  }
0x4a: {  	v20 =	vadd.f32 v21, v20;
	v21 =	vmul.f32 v22, v17  }
0x4b: {  	s20 =	simm.s32 $0x10;
	v22 =	vld [tilespmem:s21+$0x1E00]  }
0x4c: {  	v25 =	vld [tilespmem:s20+$0x1400];
	v20 =	vadd.f32 v21, v20;
	v21 =	vmul.f32 v23, v16  }
0x4d: {  	v23 =	vld [tilespmem:s21+$0x2000]  }
0x4e: {  	v26 =	vld [tilespmem:s20+$0x1600];
	v20 =	vadd.f32 v21, v20;
	v21 =	vmul.f32 v24, v15  }
0x4f: {  	v24 =	vld [tilespmem:s21+$0x2200]  }
0x50: {  	v27 =	vld [tilespmem:s20+$0x1800];
	v20 =	vadd.f32 v21, v20;
	v21 =	vmul.f32 v22, v14  }
0x51: {  	v22 =	vld [tilespmem:s21+$0x2400]  }
0x52: {  	v28 =	vld [tilespmem:s20+$0x1A00];
	v23 =	vmul.f32 v23, v13;
	v20 =	vadd.f32 v21, v20  }
0x53: {  	v29 =	vld [tilespmem:s21+$0x2600];
	v25 =	vmul.f32 v25, v18;
	v26 =	vmul.f32 v26, v19  }
0x54: {  	v21 =	vld [tilespmem:s20+$0x1C00];
	v24 =	vmul.f32 v24, v12;
	v30 =	vadd.f32 v23, v20  }
0x55: {  	v25 =	vadd.f32 v26, v25;
	v26 =	vmul.f32 v27, v17;
	v20 =	vld [tilespmem:s21+$0x2820]  }
0x56: {  	v23 =	vld [tilespmem:s20+$0x1E00];
	v27 =	vadd.f32 v24, v30;
	v30 =	vmul.f32 v22, v11  }
0x57: {  	s22 =	simm.s32 $0x20;
	v25 =	vadd.f32 v26, v25;
	v26 =	vmul.f32 v28, v16;
	v22 =	vld [tilespmem:s20+$0x2000]  }
0x58: {  	s23 =	simm.s32 $0xC0;
	v28 =	vmul.f32 v29, v10;
	v24 =	vld [tilespmem:s22+$0x1400];
	v27 =	vadd.f32 v30, v27  }
.LBB2_2:
0x59: {  	p0 =	sne.s32 s23, $0x7C0;
	v29 =	vld [tilespmem:s22+$0x1600];
	v25 =	vadd.f32 v26, v25;
	v21 =	vmul.f32 v21, v15  }
0x5a: {  	v26 =	vld [tilespmem:s20+$0x2200];
	v27 =	vadd.f32 v28, v27  }
0x5b: {  	v28 =	vld [tilespmem:s22+$0x1800];
	v21 =	vadd.f32 v21, v25;
	v23 =	vmul.f32 v23, v14  }
0x5c: {  	v25 =	vld [tilespmem:s20+$0x2400];
	v20 =	vadd.f32 v27, v20  }
0x5d: {  	v22 =	vmul.f32 v22, v13;
	v27 =	vld [tilespmem:s22+$0x1A00];
	v23 =	vadd.f32 v23, v21  }
0x5e: {  	v24 =	vmul.f32 v24, v18;
	v29 =	vmul.f32 v29, v19;
	v30 =	vld [tilespmem:s20+$0x2600];
	[tilespmem:s21+$0x2A20] =	vst v20;
	s21 =	smov.u32 s20;
	s20 =	smov.u32 s22  }
.Ltmp0:
0x5f: {  	v21 =	vld [tilespmem:s20+$0x1C00];
	v22 =	vadd.f32 v22, v23;
	v26 =	vmul.f32 v26, v12;
	(pc) =	sbr.rel @p0 .LBB2_2-.Ltmp0, $4  }
0x60: {  	v24 =	vadd.f32 v29, v24;
	v28 =	vmul.f32 v28, v17;
	v20 =	vld [tilespmem:s21+$0x2820]  }
0x61: {  	v23 =	vld [tilespmem:s20+$0x1E00];
	v29 =	vadd.f32 v26, v22;
	v31 =	vmul.f32 v25, v11  }
0x62: {  	s22 =	sshra.s32 s23, $0x2;
	v25 =	vadd.f32 v28, v24;
	v26 =	vmul.f32 v27, v16;
	v22 =	vld [tilespmem:s20+$0x2000]  }
0x63: {  	s23 =	sadd.s32 $0x40, s23;
	v24 =	vld [tilespmem:s22+$0x1400];
	v27 =	vadd.f32 v31, v29;
	v28 =	vmul.f32 v30, v10  }
0x64: {  	v29 =	vld [tilespmem:s22+$0x1600]  }
0x65: {  	v30 =	vld [tilespmem:s20+$0x2200];
	v27 =	vadd.f32 v28, v27  }
0x66: {  	v40 =	vld [tilespmem:s22+$0x1800]  }
0x67: {  	v25 =	vadd.f32 v26, v25;
	v21 =	vmul.f32 v21, v15;
	v41 =	vld [tilespmem:s20+$0x2400];
	v20 =	vadd.f32 v27, v20  }
0x68: {  	v42 =	vld [tilespmem:s22+$0x1A00];
	v23 =	vmul.f32 v23, v14  }
0x69: {  	v43 =	vld [tilespmem:s20+$0x2600];
	v21 =	vadd.f32 v21, v25;
	v18 =	vmul.f32 v24, v18;
	v19 =	vmul.f32 v29, v19;
	[tilespmem:s21+$0x2A20] =	vst v20  }
0x6a: {  	v45 =	vmul.f32 v22, v13;
	v46 =	vld [tilespmem:s22+$0x1C00]  }
0x6b: {  	v44 =	vadd.f32 v23, v21;
	v17 =	vmul.f32 v40, v17;
	v18 =	vadd.f32 v19, v18  }
0x6c: {  	v48 =	vmul.f32 v30, v12;
	v49 =	vld [tilespmem:s22+$0x1E00]  }
0x6d: {  	v16 =	vmul.f32 v42, v16;
	v47 =	vadd.f32 v45, v44;
	v17 =	vadd.f32 v17, v18  }
0x6e: {  	v51 =	vmul.f32 v41, v11;
	v52 =	vld [tilespmem:s22+$0x2000]  }
0x6f: {  	v53 =	vld [tilespmem:s20+$0x2820];
	v50 =	vadd.f32 v48, v47;
	v16 =	vadd.f32 v16, v17;
	v54 =	vmul.f32 v46, v15  }
0x70: {  	v57 =	vmul.f32 v43, v10;
	v56 =	vld [tilespmem:s22+$0x2200]  }
0x71: {  	v55 =	vadd.f32 v51, v50;
	v58 =	vmul.f32 v49, v14;
	v15 =	vadd.f32 v54, v16  }
0x72: {  	v59 =	vld [tilespmem:s22+$0x2400]  }
0x73: {  	v60 =	vmul.f32 v52, v13;
	v17 =	vadd.f32 v57, v55;
	v14 =	vadd.f32 v58, v15  }
0x74: {  	v61 =	vld [tilespmem:s22+$0x2600]  }
0x75: {  	v62 =	vmul.f32 v56, v12;
	v17 =	vadd.f32 v17, v53;
	v13 =	vadd.f32 v60, v14;
	_ =	sdelay $0x1  }
0x76: {  	v11 =	vmul.f32 v59, v11;
	[tilespmem:s20+$0x2A20] =	vst v17;
	v12 =	vadd.f32 v62, v13  }
0x77: {  	v63 =	vld [tilespmem:s22+$0x2820]  }
0x78: {  	v10 =	vmul.f32 v61, v10;
	v11 =	vadd.f32 v11, v12;
	_ =	sdelay $0x1  }
0x79: {  	v10 =	vadd.f32 v10, v11;
	_ =	sdelay $0x1  }
0x7a: {  	s19 =	sadd.s32 $0x1, s19;
	v10 =	vadd.f32 v10, v63  }
0x7b: {  	p0 =	sne.s32 s19, s10  }
.Ltmp1:
0x7c: {  	[tilespmem:s22+$0x2A20] =	vst v10;
	(pc) =	sbr.rel @p0 .LBB2_1-.Ltmp1, $4  }
0x7d: {  	[hbm4b:s9+s2] =	stream.linear.scatter [tilespmem:s18], [sflag:$0x2], $0x200, $0x38;
	[tilespmem:$0x2C20] =	vst v63  }
0x7e: {  	_ =	swait.ge [sflag:s11], $0x200  }
0x7f: {  	[sflag:s11] =	ssyncset.done $0x0  }
0x80: {  	[sflag:s11] =	ssyncadd.s32 $0xFFFFFE00  }
0x81: {  	_ =	sfence.sel $0x180000  }
0x82: {  	[bflag:$0x0] =	sbarrier.arrive $0xFFFF  }
0x83: {  	p0 =	sne.s32 s0, $0x0;
	_ =	strace $0x9000004D  }
0x84: {  	s0 =	sadd.s32 @!p0 $0x100000, s1;
	[bflag:$0x2] =	sbarrier.arrive $0xFFFF  }
0x85: {  	[sflag:s0] =	ssyncadd.tile.s32 @!p0 $0x1;
	_ =	shalt  }
.Lfunc_end2:
_tile_overlayer_lowered:
.L_overlay_start_2:
0x86: {  	(tag) =	ssettag $0x2  }
0x87: {  	s0 =	rddreg [dreg:$0x0];
	s2 =	stileid.u32  }
0x88: {  	s1 =	rddreg [dreg:$0x1];
	p0 =	sne.s32 s2, $0x0  }
0x89: {  	s3 =	rddreg [dreg:$0x2];
	[bflag:$0x3] =	sbarrier.arrive $0xFFFF;
	s2 =	simm.s32 @!p0 $0x1C02  }
0x8a: {  	[timem:s3], [sflag:s2] =	dma.local @!p0 [hbm:s0], s1  }
0x8b: {  	s0 =	simm.s32 @!p0 $0x2  }
0x8c: {  	_ =	swait.ge @!p0 [sflag:s0], s1  }
0x8d: {  	s1 =	ssub.s32 @!p0 $0x0, s1;
	[sflag:s0] =	ssyncset.done @!p0 $0x0  }
0x8e: {  	[sflag:s0] =	ssyncadd.s32 @!p0 s1  }
0x8f: {  	[bflag:$0x3] =	sbarrier.arrive $0xFFFF  }
0x90: {  	_ =	shalt  }

// kernel: kernel.7.cloned.1.call-start
scs
__scs_entry_jumppad:
0x0: {  	(pc) =	sbr.rel $0x88, $3  }
0x1: {  	(tag) =	ssettag $0x0;
	lr =	simm.s32 $0x1  }
0x2: {  	[smem:$0x3F9E] =	sst lr;
	_ =	strace $0xD0000000  }
0x3: {  	_ = 	snop  }
0x4: {  	_ = 	snop  }
0x5: {  	_ = 	snop  }
0x6: {  	_ = 	snop  }
0x7: {  	_ = 	snop  }
__scs_overlays_trampoline_lowered:
0x8: {  	[smem:$0x3FAD] =	sst s0  }
0x9: {  	[smem:$0x3FAE] =	sst s1  }
0xa: {  	[smem:$0x3FAF] =	sst s2  }
0xb: {  	[smem:$0x3FB0] =	sst s3  }
0xc: {  	[smem:$0x3FB1] =	sst s4  }
0xd: {  	[smem:$0x3FB2] =	sst s5  }
0xe: {  	[smem:$0x3FB3] =	sst s6  }
0xf: {  	[smem:$0x3FB4] =	sst s7  }
0x10: {  	[smem:$0x3FB5] =	sst s8  }
0x11: {  	[smem:$0x3FB6] =	sst s9;
	s0 =	simm.s32 @!p0 $0x0  }
0x12: {  	s1 =	sld [smem:$0x3F9C];
	s0 =	simm.s32 @p0 $0x1  }
0x13: {  	[smem:$0x3FB7] =	sst s0;
	s0 =	simm.s32 @!p1 $0x0  }
0x14: {  	s2 =	sld [smem:$0x3F9B];
	s0 =	simm.s32 @p1 $0x1  }
0x15: {  	[smem:$0x3FB8] =	sst s0;
	s0 =	simm.s32 @!p2 $0x0  }
0x16: {  	s3 =	sld [smem:$0x3FDB];
	s0 =	simm.s32 @p2 $0x1  }
0x17: {  	s4 =	simm.s32 $0x1BF5;
	[smem:$0x3FBA] =	sst s0  }
0x18: {  	s0 =	sld [smem:$0x3F9D];
	_ =	swait.ge [sflag:s4], $0x0  }
0x19: {  	s7 =	sld [smem:$0x3F9E]  }
0x1a: {  	s8 =	sadd.s32 $0xFFFFE003, lr  }
0x1b: {  	s9 =	sadd.s32 $0xFFFFFEF7, lr;
	s5 =	simm.s32 $0xFFFFFFFF;
	p2 =	slt.u32 s8, $0xFFFFF086  }
0x1c: {  	p1 =	slt.u32 s9, $0xF7A;
	s5 =	simm.s32 @!p2 $0x0  }
0x1d: {  	s5 =	simm.s32 @p1 $0x1;
	p0 =	seq.s32 s7, s2  }
0x1e: {  	s7 =	smul.u32 @!p0 $0xF7A, s2;
	p2 =	seq.s32 @!p0 s5, $0x0  }
0x1f: {  	s9 =	smul.u32 $0xF7A, s1;
	s8 =	simm.s32 @!p0 $0x1BF5;
	p2 =	por !p2, p0  }
0x20: {  	[sflag:s8] =	ssyncset.s32 @!p0 $0xFFFFF086;
	s6 =	sadd.s32 @!p0 s3, s7;
	s7 =	simm.s32 @!p0 $0x108  }
0x21: {  	s3 =	sadd.s32 s3, s9;
	s6 =	sadd.s32 @!p0 $0x88, s6;
	s7 =	simm.s32 @p2 $0x1082  }
0x22: {  	[simem:s7], [sflag:s8] =	dma.local @!p0 [hbm:s6], $0xF7A  }
0x23: {  	s9 =	sor.u32 $0xD0000000, s2;
	s6 =	simm.s32 $0x108;
	_ =	swait.ge @!p0 [sflag:s8], $0x0  }
0x24: {  	s3 =	sadd.s32 $0x88, s3;
	s6 =	simm.s32 @!p1 $0x1082;
	[sflag:s4] =	ssyncset.s32 $0xFFFFF086  }
0x25: {  	[simem:s6], [sflag:s4] =	dma.local [hbm:s3], $0xF7A  }
0x26: {  	[smem:$0x3F9E] =	sst s1;
	(tag) =	ssettag s2;
	_ =	strace s9  }
0x27: {  	s1 =	sld [smem:$0x3FAE]  }
0x28: {  	s2 =	sld [smem:$0x3FAF]  }
0x29: {  	s4 =	sld [smem:$0x3FB1]  }
0x2a: {  	p0 =	seq.s32 s5, $0x0;
	s5 =	sld [smem:$0x3FB2]  }
0x2b: {  	s6 =	sld [smem:$0x3FB3]  }
0x2c: {  	s7 =	sld [smem:$0x3FB4]  }
0x2d: {  	s3 =	simm.s32 $0x108;
	s8 =	sld [smem:$0x3FB5]  }
0x2e: {  	s3 =	simm.s32 @!p0 $0x1082;
	s9 =	sld [smem:$0x3FB6]  }
0x2f: {  	lr =	sadd.s32 s0, s3;
	s0 =	sld [smem:$0x3FAD]  }
0x30: {  	s3 =	sld [smem:$0x3FB0]  }
0x31: {  	[smem:$0x3FB9] =	sst s10  }
0x32: {  	s10 =	sld [smem:$0x3FB7];
	_ =	sdelay $0x3  }
0x33: {  	p0 =	seq.s32 s10, $0x1;
	s10 =	sld [smem:$0x3FB9];
	_ =	sdelay $0x3  }
0x34: {  	[smem:$0x3FB9] =	sst s10  }
0x35: {  	s10 =	sld [smem:$0x3FB8];
	_ =	sdelay $0x3  }
0x36: {  	p1 =	seq.s32 s10, $0x1;
	s10 =	sld [smem:$0x3FB9];
	_ =	sdelay $0x3  }
0x37: {  	[smem:$0x3FB9] =	sst s10  }
0x38: {  	s10 =	sld [smem:$0x3FBA]  }
0x39: {  	_ = 	snop;
	(pc) =	sbr.ind lr, $3  }
0x3a: {  	_ = 	snop  }
0x3b: {  	_ = 	snop  }
0x3c: {  	p2 =	seq.s32 s10, $0x1;
	s10 =	sld [smem:$0x3FB9]  }
0x3d: {  	_ =	shalt  }
0x3e: {  	_ =	shalt  }
0x3f: {  	_ =	shalt  }
0x40: {  	_ =	shalt  }
0x41: {  	_ =	shalt  }
0x42: {  	_ =	shalt  }
0x43: {  	_ =	shalt  }
0x44: {  	_ =	shalt  }
0x45: {  	_ =	shalt  }
0x46: {  	_ =	shalt  }
0x47: {  	_ =	shalt  }
0x48: {  	_ =	shalt  }
0x49: {  	_ =	shalt  }
0x4a: {  	_ =	shalt  }
0x4b: {  	_ =	shalt  }
0x4c: {  	_ =	shalt  }
0x4d: {  	_ =	shalt  }
0x4e: {  	_ =	shalt  }
0x4f: {  	_ =	shalt  }
0x50: {  	_ =	shalt  }
0x51: {  	_ =	shalt  }
0x52: {  	_ =	shalt  }
0x53: {  	_ =	shalt  }
0x54: {  	_ =	shalt  }
0x55: {  	_ =	shalt  }
0x56: {  	_ =	shalt  }
0x57: {  	_ =	shalt  }
0x58: {  	_ =	shalt  }
0x59: {  	_ =	shalt  }
0x5a: {  	_ =	shalt  }
0x5b: {  	_ =	shalt  }
0x5c: {  	_ =	shalt  }
0x5d: {  	_ =	shalt  }
0x5e: {  	_ =	shalt  }
0x5f: {  	_ =	shalt  }
0x60: {  	_ =	shalt  }
0x61: {  	_ =	shalt  }
0x62: {  	_ =	shalt  }
0x63: {  	_ =	shalt  }
0x64: {  	_ =	shalt  }
0x65: {  	_ =	shalt  }
0x66: {  	_ =	shalt  }
0x67: {  	_ =	shalt  }
0x68: {  	_ =	shalt  }
0x69: {  	_ =	shalt  }
0x6a: {  	_ =	shalt  }
0x6b: {  	_ =	shalt  }
0x6c: {  	_ =	shalt  }
0x6d: {  	_ =	shalt  }
0x6e: {  	_ =	shalt  }
0x6f: {  	_ =	shalt  }
0x70: {  	_ =	shalt  }
0x71: {  	_ =	shalt  }
0x72: {  	_ =	shalt  }
0x73: {  	_ =	shalt  }
0x74: {  	_ =	shalt  }
0x75: {  	_ =	shalt  }
0x76: {  	_ =	shalt  }
0x77: {  	_ =	shalt  }
0x78: {  	_ =	shalt  }
0x79: {  	_ =	shalt  }
0x7a: {  	_ =	shalt  }
0x7b: {  	_ =	shalt  }
0x7c: {  	_ =	shalt  }
0x7d: {  	_ =	shalt  }
0x7e: {  	_ =	shalt  }
0x7f: {  	_ =	shalt  }
0x80: {  	_ =	shalt  }
0x81: {  	_ =	shalt  }
0x82: {  	_ =	shalt  }
0x83: {  	_ =	shalt  }
0x84: {  	_ =	shalt  }
0x85: {  	_ =	shalt  }
0x86: {  	_ =	shalt  }
0x87: {  	_ =	shalt  }
.Lfunc_end0:
.L_simem_size_0:
called_computation_lowered:
.L_overlay_start_0:
0x88: {  	s2 =	sld [smem:$0x3FD9]  }
0x89: {  	s3 =	sld [smem:$0x3FFE];
	_ =	sdelay $0x1  }
0x8a: {  	s1 =	srdreg.scid  }
0x8b: {  	s0 =	sand.u32 $0x1, s1  }
0x8c: {  	s16 =	sshll.u32 s0, $0xA;
	s2 =	sadd.s32 s3, s2  }
0x8d: {  	s2 =	sadd.s32 s2, s16  }
0x8e: {  	[smem:$0x3FC5] =	sst s2  }
0x8f: {  	_ = 	snop  }
0x90: {  	(tm) =	ssettm $0x1  }
0x91: {  	s17 =	sld [smem:$0x3FFB];
	_ =	sdelay $0x3  }
0x92: {  	_ =	strace s17  }
0x93: {  	s2 =	sld [smem:$0x3FFC];
	_ =	sdelay $0x3  }
0x94: {  	_ =	strace s2  }
0x95: {  	s2 =	sld [smem:$0x3FFD];
	_ =	sdelay $0x3  }
0x96: {  	_ =	strace s2  }
0x97: {  	_ =	strace $0x8FFFFFFF  }
0x98: {  	s18 =	sld [smem:$0x3FDB];
	_ =	sdelay $0x1  }
0x99: {  	s19 =	simm.s32 $_scs_section_size  }
0x9a: {  	s4 =	simm.s32 $_size__tile_overlayer_lowered;
	s5 =	simm.s32 $_tile_overlayer_lowered  }
0x9b: {  	s22 =	simm.s32 $0x1BFF;
	s21 =	sshll.u32 s5, $0x1;
	s2 =	sadd.s32 s19, s18  }
0x9c: {  	s6 =	simm.s32 $0x0;
	s20 =	sshll.u32 s4, $0x1;
	s4 =	sadd.s32 s21, s2  }
0x9d: {  	[timem:s6], [sflag:s22] =	dma.local [hbm:s4], s20  }
0x9e: {  	_ =	swait.ge [sflag:s22], s20  }
0x9f: {  	s3 =	ssub.s32 $0x0, s20;
	[sflag:s22] =	ssyncset.done $0x0  }
0xa0: {  	[sflag:s22] =	ssyncadd.s32 s3;
	_ =	sdelay $0x1  }
0xa1: {  	s23 =	simm.s32 $0x1B8B  }
0xa2: {  	_ =	swait.ge [sflag:s23], $0x1  }
0xa3: {  	[sflag:s23] =	ssyncset.done $0x0  }
0xa4: {  	s25 =	simm.s32 $0x1B8E;
	s24 =	sld [smem:$0x3FFE];
	[sflag:s23] =	ssyncadd.s32 $0xFFFFFFFF  }
0xa5: {  	s26 =	simm.s32 $execute0_lowered;
	[smem:$0x3FD2] =	sst s25  }
0xa6: {  	s4 =	sshll.u32 s26, $0x1;
	_ =	strace $0x80000046;
	[dreg:$0x1] =	wrdreg $0xFFFFFFFF  }
0xa7: {  	s28 =	simm.s32 $_size_execute0_lowered;
	s2 =	sadd.s32 s2, s4;
	[dreg:$0x0] =	wrdreg $0x0  }
0xa8: {  	s4 =	sshll.u32 s28, $0x1;
	[dreg:$0x2] =	wrdreg s2  }
0xa9: {  	[dreg:$0x3] =	wrdreg s4  }
0xaa: {  	[dreg:$0x4] =	wrdreg $0xC0  }
0xab: {  	_ =	task [dreg:s6], $0x5FFFF  }
0xac: {  	[dreg:$0x1] =	wrdreg $0xFFFFFFFF  }
0xad: {  	[dreg:$0x0] =	wrdreg $0x60  }
0xae: {  	[dreg:$0x2] =	wrdreg s24  }
0xaf: {  	[dreg:$0x3] =	wrdreg $0x9  }
0xb0: {  	_ =	task.clear_ibuf [dreg:s6], $0x4FFFF;
	_ =	strace $0x90000046  }
0xb1: {  	s29 =	simm.s32 $0x9;
	_ =	strace $0x80000048  }
0xb2: {  	_ =	swait.ge [sflag:s29], $0x1  }
0xb3: {  	[sflag:s29] =	ssyncadd.s32 $0xFFFFFFFF  }
0xb4: {  	_ =	strace $0x90000048  }
0xb5: {  	_ =	sfence  }
0xb6: {  	s30 =	sld [smem:$0x0];
	_ =	sdelay $0x2  }
0xb7: {  	s31 =	sshll.u32 s1, $0xD;
	s1 =	sshrl.u32 s1, $0x2  }
0xb8: {  	s3 =	sand.u32 $0x4000, s31;
	s1 =	sadd.s32 s1, s30  }
0xb9: {  	s0 =	sor.u32 s3, s0;
	s1 =	sshll.u32 s1, $0x11  }
0xba: {  	s0 =	sor.u32 s1, s0  }
0xbb: {  	s0 =	sadd.s32 $0x8F2B, s0  }
0xbc: {  	[sflag:s0] =	ssyncadd.remote.s32 $0x1  }
0xbd: {  	_ =	sfence.sel $0xFFFF  }
0xbe: {  	[dreg:$0x0] =	wrdreg $0xFFFFFFFF;
	(pc) =	sbr.abs _section_cstart, $3  }
0xbf: {  	[dreg:$0x1] =	wrdreg $0xFFFFFFFF  }
0xc0: {  	_ =	task.clear_ibuf [dreg:s6], $0x2FFFF;
	_ =	strace $0x9FFFFFFF  }
0xc1: {  	(tm) =	ssettm $0x7FFFFFFF  }
tec
execute0_lowered:
.L_overlay_start_1:
0x0: {  	(tag) =	ssettag $0x1  }
0x1: {  	s3 =	rddreg [dreg:$0x0]  }
0x2: {  	s0 =	rddreg [dreg:$0x1];
	s4 =	srdreg.scid  }
0x3: {  	s1 =	stileid.u32;
	s2 =	simm.s32 $0x0;
	s9 =	simm.s32 $0x200  }
0x4: {  	s10 =	simm.s32 $0x4000;
	s11 =	simm.s32 $0x1;
	s12 =	simm.s32 $0x3400  }
0x5: {  	s4 =	sand.u32 $0x1, s4;
	s5 =	sshll.u32 s1, $0x1;
	[smem:$0x7FF] =	sst s2  }
0x6: {  	s13 =	simm.s32 $0x0;
	s5 =	sor.u32 s4, s5;
	_ =	strace $0x80000047  }
0x7: {  	s4 =	ssub.s32 $0x2, s4;
	s6 =	sshll.u32 s5, $0x6;
	s7 =	smul.u32 $0x140, s5  }
0x8: {  	s5 =	sshll.u32 s5, $0x9;
	s31 =	sshrl.u32 s4, $0x1;
	s6 =	sadd.s32 s6, s3  }
0x9: {  	s5 =	sadd.s32 s5, s3;
	s8 =	ssub.s32 s4, s31;
	s7 =	sadd.s32 s7, s3  }
0xa: {  	s3 =	sadd.s32 $0x1E00, s6;
	s4 =	sadd.s32 $0xEE00, s5;
	s5 =	sadd.s32 $0x12E00, s5  }
0xb: {  	s8 =	smax.u32 s8, $0x1;
	s6 =	sadd.s32 $0x16E00, s7;
	s7 =	sadd.s32 $0x19600, s7  }
.LBB2_1:
0xc: {  	[tilespmem:s2], [sflag:$0x1] =	stream.strided.gather [hbm4b:s3+s9], $0x3400, s10, s9, $0x38;
	[tilespmem:$0x4400] =	vst v63  }
0xd: {  	_ =	swait.ge [sflag:s11], $0x3400  }
0xe: {  	[sflag:s11] =	ssyncset.done $0x0  }
0xf: {  	[sflag:s11] =	ssyncadd.s32 $0xFFFFCC00  }
0x10: {  	v0 =	vld [tilespmem:s2+$0x0];
	_ =	sdelay $0x1  }
0x11: {  	s14 =	simm.s32 $0x0  }
0x12: {  	s14 =	smul.u32 $0x19000, s14;
	_ =	sdelay $0x1  }
0x13: {  	v0 =	vadd.s32 s14, v0  }
0x14: {  	s15 =	simm.s32 $0x10;
	[tilespmem:s12+$0x0] =	vst v0  }
0x15: {  	s16 =	simm.s32 $0x1;
	s17 =	simm.s32 $0x2;
	s14 =	simm.s32 $0x3400;
	v0 =	vld [tilespmem:s15+$0x0]  }
.LBB2_2:
0x16: {  	p0 =	sne.s32 s17, $0xFF;
	s18 =	sshrl.u32 s16, $0x5  }
0x17: {  	s16 =	smov.u32 s17;
	s18 =	smul.u32 $0x19000, s18  }
.Ltmp0:
0x18: {  	(pc) =	sbr.rel @p0 .LBB2_2-.Ltmp0, $4  }
0x19: {  	_ = 	snop  }
0x1a: {  	s14 =	sadd.s32 $0x10, s14;
	v0 =	vadd.s32 s18, v0  }
0x1b: {  	s15 =	sadd.s32 $0x10, s15;
	[tilespmem:s14+$0x0] =	vst v0  }
0x1c: {  	s17 =	sadd.s32 $0x1, s17;
	v0 =	vld [tilespmem:s15+$0x0]  }
0x1d: {  	_ = 	snop  }
0x1e: {  	s15 =	sshrl.u32 s16, $0x5  }
0x1f: {  	s15 =	smul.u32 $0x19000, s15;
	_ =	sdelay $0x1  }
0x20: {  	s14 =	sadd.s32 $0x10, s14;
	v0 =	vadd.s32 s15, v0  }
0x21: {  	s29 =	simm.s32 $0x0;
	[tilespmem:s14+$0x0] =	vst v0;
	s14 =	simm.s32 $0x3400  }
0x22: {  	[hbm4b:s4+s29] =	stream.linear.scatter [tilespmem:s14], [sflag:$0x1], $0x1000, $0x38;
	[tilespmem:$0x4400] =	vst v63  }
0x23: {  	_ =	swait.ge [sflag:s11], $0x1000  }
0x24: {  	[sflag:s11] =	ssyncset.done $0x0  }
0x25: {  	s30 =	simm.s32 $0x1000;
	[sflag:s11] =	ssyncadd.s32 $0xFFFFF000  }
0x26: {  	v0 =	vld [tilespmem:s30+$0x0];
	_ =	sdelay $0x1  }
0x27: {  	s31 =	simm.s32 $0x0  }
0x28: {  	s15 =	smul.u32 $0x19000, s31;
	_ =	sdelay $0x1  }
0x29: {  	v0 =	vadd.s32 s15, v0  }
0x2a: {  	s15 =	simm.s32 $0x1010;
	[tilespmem:s14+$0x0] =	vst v0  }
0x2b: {  	s16 =	simm.s32 $0x1;
	s17 =	simm.s32 $0x2;
	v0 =	vld [tilespmem:s15+$0x0]  }
.LBB2_4:
0x2c: {  	p0 =	sne.s32 s17, $0xFF;
	s18 =	sshrl.u32 s16, $0x5  }
0x2d: {  	s16 =	smov.u32 s17;
	s18 =	smul.u32 $0x19000, s18  }
.Ltmp1:
0x2e: {  	(pc) =	sbr.rel @p0 .LBB2_4-.Ltmp1, $4  }
0x2f: {  	_ = 	snop  }
0x30: {  	s14 =	sadd.s32 $0x10, s14;
	v0 =	vadd.s32 s18, v0  }
0x31: {  	s15 =	sadd.s32 $0x10, s15;
	[tilespmem:s14+$0x0] =	vst v0  }
0x32: {  	s17 =	sadd.s32 $0x1, s17;
	v0 =	vld [tilespmem:s15+$0x0]  }
0x33: {  	_ = 	snop  }
0x34: {  	s15 =	sshrl.u32 s16, $0x5  }
0x35: {  	s15 =	smul.u32 $0x19000, s15;
	_ =	sdelay $0x1  }
0x36: {  	s14 =	sadd.s32 $0x10, s14;
	v0 =	vadd.s32 s15, v0  }
0x37: {  	s29 =	simm.s32 $0x0;
	[tilespmem:s14+$0x0] =	vst v0;
	s14 =	simm.s32 $0x3400  }
0x38: {  	[hbm4b:s5+s29] =	stream.linear.scatter [tilespmem:s14], [sflag:$0x1], $0x1000, $0x38;
	[tilespmem:$0x4400] =	vst v63  }
0x39: {  	_ =	swait.ge [sflag:s11], $0x1000  }
0x3a: {  	[sflag:s11] =	ssyncset.done $0x0  }
0x3b: {  	s30 =	simm.s32 $0x2000;
	[sflag:s11] =	ssyncadd.s32 $0xFFFFF000  }
0x3c: {  	v0 =	vld [tilespmem:s30+$0x0];
	_ =	sdelay $0x1  }
0x3d: {  	s31 =	simm.s32 $0x0  }
0x3e: {  	s15 =	smul.u32 $0x19000, s31;
	_ =	sdelay $0x1  }
0x3f: {  	v0 =	vadd.s32 s15, v0  }
0x40: {  	s15 =	simm.s32 $0x2010;
	[tilespmem:s14+$0x0] =	vst v0  }
0x41: {  	s16 =	simm.s32 $0x1;
	s17 =	simm.s32 $0x2;
	v0 =	vld [tilespmem:s15+$0x0]  }
.LBB2_6:
0x42: {  	p0 =	sne.s32 s17, $0x9F;
	s18 =	sshrl.u32 s16, $0x5  }
0x43: {  	s16 =	smov.u32 s17;
	s18 =	smul.u32 $0x19000, s18  }
.Ltmp2:
0x44: {  	(pc) =	sbr.rel @p0 .LBB2_6-.Ltmp2, $4  }
0x45: {  	_ = 	snop  }
0x46: {  	s14 =	sadd.s32 $0x10, s14;
	v0 =	vadd.s32 s18, v0  }
0x47: {  	s15 =	sadd.s32 $0x10, s15;
	[tilespmem:s14+$0x0] =	vst v0  }
0x48: {  	s17 =	sadd.s32 $0x1, s17;
	v0 =	vld [tilespmem:s15+$0x0]  }
0x49: {  	_ = 	snop  }
0x4a: {  	s15 =	sshrl.u32 s16, $0x5  }
0x4b: {  	s15 =	smul.u32 $0x19000, s15;
	_ =	sdelay $0x1  }
0x4c: {  	s14 =	sadd.s32 $0x10, s14;
	v0 =	vadd.s32 s15, v0  }
0x4d: {  	s29 =	simm.s32 $0x0;
	[tilespmem:s14+$0x0] =	vst v0;
	s14 =	simm.s32 $0x3400  }
0x4e: {  	[hbm4b:s6+s29] =	stream.linear.scatter [tilespmem:s14], [sflag:$0x1], $0xA00, $0x38;
	[tilespmem:$0x4400] =	vst v63  }
0x4f: {  	_ =	swait.ge [sflag:s11], $0xA00  }
0x50: {  	[sflag:s11] =	ssyncset.done $0x0  }
0x51: {  	s30 =	simm.s32 $0x2A00;
	[sflag:s11] =	ssyncadd.s32 $0xFFFFF600  }
0x52: {  	v0 =	vld [tilespmem:s30+$0x0];
	_ =	sdelay $0x1  }
0x53: {  	s31 =	simm.s32 $0x0  }
0x54: {  	s15 =	smul.u32 $0x19000, s31;
	_ =	sdelay $0x1  }
0x55: {  	v0 =	vadd.s32 s15, v0  }
0x56: {  	s15 =	simm.s32 $0x2A10;
	[tilespmem:s14+$0x0] =	vst v0  }
0x57: {  	s16 =	simm.s32 $0x1;
	s17 =	simm.s32 $0x2;
	v0 =	vld [tilespmem:s15+$0x0]  }
.LBB2_8:
0x58: {  	p0 =	sne.s32 s17, $0x9F;
	s18 =	sshrl.u32 s16, $0x5  }
0x59: {  	s16 =	smov.u32 s17;
	s18 =	smul.u32 $0x19000, s18  }
.Ltmp3:
0x5a: {  	(pc) =	sbr.rel @p0 .LBB2_8-.Ltmp3, $4  }
0x5b: {  	_ = 	snop  }
0x5c: {  	s14 =	sadd.s32 $0x10, s14;
	v0 =	vadd.s32 s18, v0  }
0x5d: {  	s15 =	sadd.s32 $0x10, s15;
	[tilespmem:s14+$0x0] =	vst v0  }
0x5e: {  	s17 =	sadd.s32 $0x1, s17;
	v0 =	vld [tilespmem:s15+$0x0]  }
0x5f: {  	_ = 	snop  }
0x60: {  	s15 =	sshrl.u32 s16, $0x5  }
0x61: {  	s15 =	smul.u32 $0x19000, s15  }
0x62: {  	s13 =	sadd.s32 $0x1, s13  }
0x63: {  	s14 =	sadd.s32 $0x10, s14;
	p0 =	sne.s32 s13, s8;
	v0 =	vadd.s32 s15, v0  }
.Ltmp4:
0x64: {  	[tilespmem:s14+$0x0] =	vst v0;
	(pc) =	sbr.rel @p0 .LBB2_1-.Ltmp4, $4  }
0x65: {  	[hbm4b:s7+s2] =	stream.linear.scatter [tilespmem:s12], [sflag:$0x1], $0xA00, $0x38;
	[tilespmem:$0x4400] =	vst v63  }
0x66: {  	_ =	swait.ge [sflag:s11], $0xA00  }
0x67: {  	[sflag:s11] =	ssyncset.done $0x0  }
0x68: {  	[sflag:s11] =	ssyncadd.s32 $0xFFFFF600  }
0x69: {  	_ =	sfence.sel $0x180000  }
0x6a: {  	[bflag:$0x0] =	sbarrier.arrive $0xFFFF  }
0x6b: {  	p0 =	sne.s32 s1, $0x0;
	_ =	strace $0x90000047  }
0x6c: {  	s0 =	sadd.s32 @!p0 $0x100000, s0;
	[bflag:$0x2] =	sbarrier.arrive $0xFFFF  }
0x6d: {  	[sflag:s0] =	ssyncadd.tile.s32 @!p0 $0x1;
	_ =	shalt  }
.Lfunc_end2:
_tile_overlayer_lowered:
.L_overlay_start_2:
0x6e: {  	(tag) =	ssettag $0x2  }
0x6f: {  	s0 =	rddreg [dreg:$0x0];
	s2 =	stileid.u32  }
0x70: {  	s1 =	rddreg [dreg:$0x1];
	p0 =	sne.s32 s2, $0x0  }
0x71: {  	s3 =	rddreg [dreg:$0x2];
	[bflag:$0x3] =	sbarrier.arrive $0xFFFF;
	s2 =	simm.s32 @!p0 $0x1C01  }
0x72: {  	[timem:s3], [sflag:s2] =	dma.local @!p0 [hbm:s0], s1  }
0x73: {  	s0 =	simm.s32 @!p0 $0x1  }
0x74: {  	_ =	swait.ge @!p0 [sflag:s0], s1  }
0x75: {  	s1 =	ssub.s32 @!p0 $0x0, s1;
	[sflag:s0] =	ssyncset.done @!p0 $0x0  }
0x76: {  	[sflag:s0] =	ssyncadd.s32 @!p0 s1  }
0x77: {  	[bflag:$0x3] =	sbarrier.arrive $0xFFFF  }
0x78: {  	_ =	shalt  }

</sc_bundles>
